<compile_context>
chip_gen: v7x
topology: tpu7x:2x2x1
jax: 0.10.2.dev20260603
libtpu: 0.0.44.dev20260713+nightly
codegen_flags: <defaults>
</compile_context>

<pallas_src>
import functools

import jax
import jax.numpy as jnp
from jax import lax
from jax.experimental import pallas as pl
from jax.experimental.pallas import tpu as pltpu, tpu_sc as plsc

N_NODES = 10000
D = 128
N_PAD = 10240
NC = 2
NS = 16
NW = NC * NS
CHUNK = 128
PAD_ROWS = N_PAD - N_NODES


def _sc_segment_sum(h, src3, dst3, zrows, zcnt, n_chunks):
    mesh = plsc.VectorSubcoreMesh(core_axis_name="c", subcore_axis_name="s")

    @functools.partial(
        pl.kernel,
        out_type=(
            jax.ShapeDtypeStruct((NC, N_PAD, D), jnp.float32),
            jax.ShapeDtypeStruct((NC, N_PAD), jnp.float32),
        ),
        mesh=mesh,
        scratch_types=[
            pltpu.VMEM((n_chunks // 2, CHUNK), jnp.int32),
            pltpu.VMEM((n_chunks // 2, CHUNK), jnp.int32),
            pltpu.VMEM((2, CHUNK, D), jnp.float32),
            pltpu.VMEM((CHUNK,), jnp.float32),
            pltpu.VMEM_SHARED((N_PAD, D), jnp.float32),
            pltpu.VMEM_SHARED((N_PAD,), jnp.float32),
            pltpu.SemaphoreType.DMA,
            pltpu.SemaphoreType.DMA,
            pltpu.SemaphoreType.DMA,
        ],
    )
    def k(h_hbm, src_hbm, dst_hbm, zrows_hbm, zcnt_hbm, agg_out, cnt_out,
          src_v, dst_v, rows_v, ones_v, agg_sh, cnt_sh, sem, ssem, csem):
        c = lax.axis_index("c")
        s = lax.axis_index("s")
        w = s * NC + c

        rows_per_tile = N_PAD // NS
        pltpu.sync_copy(zrows_hbm, agg_sh.at[pl.ds(s * rows_per_tile, rows_per_tile), :])
        pltpu.sync_copy(zcnt_hbm, cnt_sh.at[pl.ds(s * rows_per_tile, rows_per_tile)])
        for q in range(CHUNK // 16):
            ones_v[pl.ds(q * 16, 16)] = jnp.full((16,), 1.0, jnp.float32)
        plsc.subcore_barrier()

        half = n_chunks // 2

        def wait_scatters():
            pltpu.make_async_copy(rows_v.at[0], agg_sh.at[dst_v.at[0]],
                                  ssem).wait()
            pltpu.make_async_copy(ones_v, cnt_sh.at[dst_v.at[0]],
                                  csem).wait()

        for g in range(2):
            pltpu.sync_copy(src_hbm.at[w, pl.ds(g * half, half)], src_v)
            pltpu.sync_copy(dst_hbm.at[w, pl.ds(g * half, half)], dst_v)
            pltpu.async_copy(h_hbm.at[src_v.at[0]], rows_v.at[0], sem)

            def body(j, carry):
                for b in range(2):
                    jj = j + b

                    @pl.when(jj >= 1)
                    def _():
                        wait_scatters()

                    @pl.when(jj + 1 < half)
                    def _():
                        pltpu.async_copy(
                            h_hbm.at[src_v.at[jj + 1]], rows_v.at[1 - b], sem)

                    pltpu.make_async_copy(
                        h_hbm.at[src_v.at[jj]], rows_v.at[b], sem).wait()
                    pltpu.async_copy(
                        rows_v.at[b], agg_sh.at[dst_v.at[jj]], ssem, add=True)
                    pltpu.async_copy(
                        ones_v, cnt_sh.at[dst_v.at[jj]], csem, add=True)
                return carry

            lax.fori_loop(0, half // 2, lambda i, cr: body(i * 2, cr), 0,
                          unroll=False)
            wait_scatters()
        plsc.subcore_barrier()

        base = s * rows_per_tile
        pltpu.sync_copy(agg_sh.at[pl.ds(base, rows_per_tile), :],
                        agg_out.at[c, pl.ds(base, rows_per_tile), :])
        pltpu.sync_copy(cnt_sh.at[pl.ds(base, rows_per_tile)],
                        cnt_out.at[c, pl.ds(base, rows_per_tile)])

    return k(h, src3, dst3, zrows, zcnt)


def _dense_body(x_ref, h_ref, c_ref, a0_ref, a1_ref, cntT_ref,
                w_ref, wl_ref, wr_ref, b_ref, hn_ref, cn_ref):
    cnt = cntT_ref[:, 0:1] + cntT_ref[:, 1:2]
    inv = 1.0 / jnp.maximum(cnt, 1.0)
    mean = (a0_ref[0] + a1_ref[0]) * inv
    z = (jnp.dot(x_ref[...], w_ref[...], preferred_element_type=jnp.float32)
         + jnp.dot(mean, wl_ref[...], preferred_element_type=jnp.float32)
         + jnp.dot(h_ref[...], wr_ref[...], preferred_element_type=jnp.float32)
         + b_ref[...])
    gi = jax.nn.sigmoid(z[:, 0 * D:1 * D])
    gf = jax.nn.sigmoid(z[:, 1 * D:2 * D])
    gt = jnp.tanh(z[:, 2 * D:3 * D])
    go = jax.nn.sigmoid(z[:, 3 * D:4 * D])
    c_new = gf * c_ref[...] + gi * gt
    hn_ref[...] = go * jnp.tanh(c_new)
    cn_ref[...] = c_new


def _dense(x, h, c, agg, cntT, w_all, wl_all, wr_all, b_all):
    blk = 1000
    grid = N_NODES // blk
    row_spec = pl.BlockSpec((blk, D), lambda i: (i, 0))
    return pl.pallas_call(
        _dense_body,
        grid=(grid,),
        in_specs=[
            row_spec, row_spec, row_spec,
            pl.BlockSpec((1, blk, D), lambda i: (0, i, 0)),
            pl.BlockSpec((1, blk, D), lambda i: (1, i, 0)),
            pl.BlockSpec((blk, NC), lambda i: (i, 0)),
            pl.BlockSpec((D, 4 * D), lambda i: (0, 0)),
            pl.BlockSpec((D, 4 * D), lambda i: (0, 0)),
            pl.BlockSpec((D, 4 * D), lambda i: (0, 0)),
            pl.BlockSpec((1, 4 * D), lambda i: (0, 0)),
        ],
        out_specs=[row_spec, row_spec],
        out_shape=[
            jax.ShapeDtypeStruct((N_NODES, D), jnp.float32),
            jax.ShapeDtypeStruct((N_NODES, D), jnp.float32),
        ],
    )(x, h, c, agg, agg, cntT, w_all, wl_all, wr_all, b_all)


def kernel(x, edge_index, h, c, params):
    src, dst = edge_index[0], edge_index[1]
    e = src.shape[0]

    per_w = -(-e // (NW * 4 * CHUNK)) * (4 * CHUNK)
    e_pad = per_w * NW
    n_chunks = per_w // CHUNK
    pad = e_pad - e
    if pad:
        pad_ids = lax.iota(jnp.int32, pad)
        src_p = jnp.concatenate([src, pad_ids % N_NODES])
        dst_p = jnp.concatenate([dst, N_NODES + pad_ids % PAD_ROWS])
    else:
        src_p, dst_p = src, dst
    src3 = src_p.reshape(NW, n_chunks, CHUNK)
    dst3 = dst_p.reshape(NW, n_chunks, CHUNK)

    zrows = jnp.zeros((N_PAD // NS, D), jnp.float32)
    zcnt = jnp.zeros((N_PAD // NS,), jnp.float32)
    agg, cnt = _sc_segment_sum(h, src3, dst3, zrows, zcnt, n_chunks)

    w_all = jnp.concatenate([params['W_' + g] for g in 'ifco'], axis=1)
    wl_all = jnp.concatenate([params['Wl_' + g] for g in 'ifco'], axis=1)
    wr_all = jnp.concatenate([params['Wr_' + g] for g in 'ifco'], axis=1)
    b_all = (jnp.concatenate([params['b_' + g][0] for g in 'ifco'])
             + jnp.concatenate([params['bl_' + g] for g in 'ifco']))[None, :]
    cntT = cnt.T

    h_new, c_new = _dense(x, h, c, agg, cntT, w_all, wl_all, wr_all, b_all)
    return (h_new, c_new)

# --- scband reference (transcript-rebuilt; emitter-appended) ---
"""Pipeline reference for scband-hetero-gclstm-73873437491316 (READ-ONLY COPY).

The authoritative reference and input builder live on the scoring server;
editing this copy changes nothing except your own understanding.
"""

import jax, jax.numpy as jnp
import numpy as np

N = 10000
E = 320000
D_IN = 128
D_OUT = 128


def _sage(h, src, dst, Wl, Wr, bl):
    # SAGEConv with mean aggregation: lin_l(mean_{src->dst} h[src]) + lin_r(h[dst])
    agg = jax.ops.segment_sum(h[src], dst, num_segments=N)
    cnt = jax.ops.segment_sum(jnp.ones((src.shape[0],), h.dtype), dst, num_segments=N)
    mean = agg / jnp.clip(cnt, 1.0)[:, None]
    return mean @ Wl + h @ Wr + bl


def setup_inputs(seed: int = 0) -> dict:
    key = jax.random.key(seed)
    ks = jax.random.split(key, 30)
    x = jax.random.normal(ks[0], (N, D_IN), jnp.float32)
    edge_index = jax.random.randint(ks[1], (2, E), 0, N, jnp.int32)
    h = jax.random.normal(ks[2], (N, D_OUT), jnp.float32)
    c = jax.random.normal(ks[3], (N, D_OUT), jnp.float32)
    s = 0.05
    params = {}
    i = 4
    for g in ['i', 'f', 'c', 'o']:
        params['W_' + g] = jax.random.normal(ks[i], (D_IN, D_OUT), jnp.float32) * s; i += 1
        params['b_' + g] = jax.random.normal(ks[i], (1, D_OUT), jnp.float32) * s; i += 1
        params['Wl_' + g] = jax.random.normal(ks[i], (D_OUT, D_OUT), jnp.float32) * s; i += 1
        params['Wr_' + g] = jax.random.normal(ks[i], (D_OUT, D_OUT), jnp.float32) * s; i += 1
        params['bl_' + g] = jax.random.normal(ks[i], (D_OUT,), jnp.float32) * s; i += 1
    return {'x': x, 'edge_index': edge_index, 'h': h, 'c': c, 'params': params}


def reference(x, edge_index, h, c, params):
    src, dst = edge_index[0], edge_index[1]

    def gate(g):
        return (x @ params['W_' + g]
                + _sage(h, src, dst, params['Wl_' + g], params['Wr_' + g], params['bl_' + g])
                + params['b_' + g])

    i = jax.nn.sigmoid(gate('i'))
    f = jax.nn.sigmoid(gate('f'))
    t = jnp.tanh(gate('c'))
    c_new = f * c + i * t
    o = jax.nn.sigmoid(gate('o'))
    h_new = o * jnp.tanh(c_new)
    return (h_new, c_new)

if __name__ == "__main__":
    import jax
    _d = setup_inputs()
    print(jax.jit(kernel)(*tuple(_d.values())))

</pallas_src>

<mosaic_0001>
#map = affine_map<(d0, d1) -> (0, 0)>
#map1 = affine_map<(d0, d1) -> (0, 0, 0)>
#map2 = affine_map<(d0, d1) -> (0)>
module attributes {stable_mosaic.version = 14 : i64} {
  func.func @k(%arg0: i32, %arg1: i32, %arg2: memref<10000x128xf32, #tpu.memory_space<hbm>>, %arg3: memref<32x80x128xi32, #tpu.memory_space<hbm>>, %arg4: memref<32x80x128xi32, #tpu.memory_space<hbm>>, %arg5: memref<640x128xf32, #tpu.memory_space<hbm>>, %arg6: memref<640xf32, #tpu.memory_space<hbm>>, %arg7: memref<2x10240x128xf32, #tpu.memory_space<hbm>>, %arg8: memref<2x10240xf32, #tpu.memory_space<hbm>>, %arg9: memref<40x128xi32, #tpu.memory_space<vmem>>, %arg10: memref<40x128xi32, #tpu.memory_space<vmem>>, %arg11: memref<2x128x128xf32, #tpu.memory_space<vmem>>, %arg12: memref<128xf32, #tpu.memory_space<vmem>>, %arg13: memref<10240x128xf32, #tpu.memory_space<vmem_shared>>, %arg14: memref<10240xf32, #tpu.memory_space<vmem_shared>>, %arg15: memref<!tpu.dma_semaphore, #tpu.memory_space<semaphore_mem>>, %arg16: memref<!tpu.dma_semaphore, #tpu.memory_space<semaphore_mem>>, %arg17: memref<!tpu.dma_semaphore, #tpu.memory_space<semaphore_mem>>) attributes {dimension_semantics = [#tpu.dimension_semantics<core_parallel>, #tpu.dimension_semantics<subcore_parallel>], iteration_bounds = array<i64: 2, 16>, scalar_prefetch = 0 : i64, scratch_operands = 9 : i64, tpu.core_type = #tpu.core_type<sc_vector_subcore>, window_params = [{transform_indices = #map}, {transform_indices = #map1}, {transform_indices = #map1}, {transform_indices = #map}, {transform_indices = #map2}, {transform_indices = #map1}, {transform_indices = #map}]} {
    %mul3A = arith.constant 2 : i32
    %mul3A_0 = arith.muli %arg1, %mul3A : i32
    %add3A = arith.addi %mul3A_0, %arg0 : i32
    %mul3A_1 = arith.constant 640 : i32
    %mul3A_2 = arith.muli %arg1, %mul3A_1 : i32
    "tpu.region"() ({
      %run_scoped3A = tpu.sem_alloc : memref<!tpu.dma_semaphore, #tpu.memory_space<semaphore_mem>>
      %dma_start3A_123 = arith.constant 0 : i32
      %dma_start3A_124 = tpu.memref_slice %arg13[%mul3A_2, %dma_start3A_123] : memref<10240x128xf32, #tpu.memory_space<vmem_shared>> -> memref<640x128xf32, #tpu.memory_space<vmem_shared>>
      tpu.enqueue_dma source(%arg5 : memref<640x128xf32, #tpu.memory_space<hbm>>) target(%dma_start3A_124 : memref<640x128xf32, #tpu.memory_space<vmem_shared>>) target_semaphore(%run_scoped3A : memref<!tpu.dma_semaphore, #tpu.memory_space<semaphore_mem>>)
      %dma_wait3A_125 = arith.constant 0 : i32
      %dma_wait3A_126 = tpu.memref_slice %arg13[%mul3A_2, %dma_wait3A_125] : memref<10240x128xf32, #tpu.memory_space<vmem_shared>> -> memref<640x128xf32, #tpu.memory_space<vmem_shared>>
      tpu.wait_dma2 semaphore(%run_scoped3A : memref<!tpu.dma_semaphore, #tpu.memory_space<semaphore_mem>>) src(%arg5 : memref<640x128xf32, #tpu.memory_space<hbm>>) dst(%dma_wait3A_126 : memref<640x128xf32, #tpu.memory_space<vmem_shared>>)
      tpu.yield
    }) : () -> ()
    %mul3A_3 = arith.constant 640 : i32
    %mul3A_4 = arith.muli %arg1, %mul3A_3 : i32
    "tpu.region"() ({
      %run_scoped3A = tpu.sem_alloc : memref<!tpu.dma_semaphore, #tpu.memory_space<semaphore_mem>>
      %dma_start3A_123 = tpu.memref_slice %arg14[%mul3A_4] : memref<10240xf32, #tpu.memory_space<vmem_shared>> -> memref<640xf32, #tpu.memory_space<vmem_shared>>
      tpu.enqueue_dma source(%arg6 : memref<640xf32, #tpu.memory_space<hbm>>) target(%dma_start3A_123 : memref<640xf32, #tpu.memory_space<vmem_shared>>) target_semaphore(%run_scoped3A : memref<!tpu.dma_semaphore, #tpu.memory_space<semaphore_mem>>)
      %dma_wait3A_124 = tpu.memref_slice %arg14[%mul3A_4] : memref<10240xf32, #tpu.memory_space<vmem_shared>> -> memref<640xf32, #tpu.memory_space<vmem_shared>>
      tpu.wait_dma2 semaphore(%run_scoped3A : memref<!tpu.dma_semaphore, #tpu.memory_space<semaphore_mem>>) src(%arg6 : memref<640xf32, #tpu.memory_space<hbm>>) dst(%dma_wait3A_124 : memref<640xf32, #tpu.memory_space<vmem_shared>>)
      tpu.yield
    }) : () -> ()
    %broadcast_in_dim3A = arith.constant 1.000000e+00 : f32
    %broadcast_in_dim3A_5 = vector.broadcast %broadcast_in_dim3A : f32 to vector<16xf32>
    %swap3A = arith.constant 0 : index
    %swap3A_6 = tpu.vector_load %arg12[%swap3A] {strides = array<i32>} : memref<128xf32, #tpu.memory_space<vmem>>, vector<16xf32>,
    %swap3A_7 = vector.shape_cast %swap3A_6 : vector<16xf32> to vector<16xf32>
    %swap3A_8 = vector.shape_cast %broadcast_in_dim3A_5 : vector<16xf32> to vector<16xf32>
    tpu.vector_store %arg12[%swap3A], %swap3A_8 {strides = array<i32>} : memref<128xf32, #tpu.memory_space<vmem>>, vector<16xf32>,
    %broadcast_in_dim3A_9 = arith.constant 1.000000e+00 : f32
    %broadcast_in_dim3A_10 = vector.broadcast %broadcast_in_dim3A_9 : f32 to vector<16xf32>
    %swap3A_11 = arith.constant 16 : index
    %swap3A_12 = tpu.vector_load %arg12[%swap3A_11] {strides = array<i32>} : memref<128xf32, #tpu.memory_space<vmem>>, vector<16xf32>,
    %swap3A_13 = vector.shape_cast %swap3A_12 : vector<16xf32> to vector<16xf32>
    %swap3A_14 = vector.shape_cast %broadcast_in_dim3A_10 : vector<16xf32> to vector<16xf32>
    tpu.vector_store %arg12[%swap3A_11], %swap3A_14 {strides = array<i32>} : memref<128xf32, #tpu.memory_space<vmem>>, vector<16xf32>,
    %broadcast_in_dim3A_15 = arith.constant 1.000000e+00 : f32
    %broadcast_in_dim3A_16 = vector.broadcast %broadcast_in_dim3A_15 : f32 to vector<16xf32>
    %swap3A_17 = arith.constant 32 : index
    %swap3A_18 = tpu.vector_load %arg12[%swap3A_17] {strides = array<i32>} : memref<128xf32, #tpu.memory_space<vmem>>, vector<16xf32>,
    %swap3A_19 = vector.shape_cast %swap3A_18 : vector<16xf32> to vector<16xf32>
    %swap3A_20 = vector.shape_cast %broadcast_in_dim3A_16 : vector<16xf32> to vector<16xf32>
    tpu.vector_store %arg12[%swap3A_17], %swap3A_20 {strides = array<i32>} : memref<128xf32, #tpu.memory_space<vmem>>, vector<16xf32>,
    %broadcast_in_dim3A_21 = arith.constant 1.000000e+00 : f32
    %broadcast_in_dim3A_22 = vector.broadcast %broadcast_in_dim3A_21 : f32 to vector<16xf32>
    %swap3A_23 = arith.constant 48 : index
    %swap3A_24 = tpu.vector_load %arg12[%swap3A_23] {strides = array<i32>} : memref<128xf32, #tpu.memory_space<vmem>>, vector<16xf32>,
    %swap3A_25 = vector.shape_cast %swap3A_24 : vector<16xf32> to vector<16xf32>
    %swap3A_26 = vector.shape_cast %broadcast_in_dim3A_22 : vector<16xf32> to vector<16xf32>
    tpu.vector_store %arg12[%swap3A_23], %swap3A_26 {strides = array<i32>} : memref<128xf32, #tpu.memory_space<vmem>>, vector<16xf32>,
    %broadcast_in_dim3A_27 = arith.constant 1.000000e+00 : f32
    %broadcast_in_dim3A_28 = vector.broadcast %broadcast_in_dim3A_27 : f32 to vector<16xf32>
    %swap3A_29 = arith.constant 64 : index
    %swap3A_30 = tpu.vector_load %arg12[%swap3A_29] {strides = array<i32>} : memref<128xf32, #tpu.memory_space<vmem>>, vector<16xf32>,
    %swap3A_31 = vector.shape_cast %swap3A_30 : vector<16xf32> to vector<16xf32>
    %swap3A_32 = vector.shape_cast %broadcast_in_dim3A_28 : vector<16xf32> to vector<16xf32>
    tpu.vector_store %arg12[%swap3A_29], %swap3A_32 {strides = array<i32>} : memref<128xf32, #tpu.memory_space<vmem>>, vector<16xf32>,
    %broadcast_in_dim3A_33 = arith.constant 1.000000e+00 : f32
    %broadcast_in_dim3A_34 = vector.broadcast %broadcast_in_dim3A_33 : f32 to vector<16xf32>
    %swap3A_35 = arith.constant 80 : index
    %swap3A_36 = tpu.vector_load %arg12[%swap3A_35] {strides = array<i32>} : memref<128xf32, #tpu.memory_space<vmem>>, vector<16xf32>,
    %swap3A_37 = vector.shape_cast %swap3A_36 : vector<16xf32> to vector<16xf32>
    %swap3A_38 = vector.shape_cast %broadcast_in_dim3A_34 : vector<16xf32> to vector<16xf32>
    tpu.vector_store %arg12[%swap3A_35], %swap3A_38 {strides = array<i32>} : memref<128xf32, #tpu.memory_space<vmem>>, vector<16xf32>,
    %broadcast_in_dim3A_39 = arith.constant 1.000000e+00 : f32
    %broadcast_in_dim3A_40 = vector.broadcast %broadcast_in_dim3A_39 : f32 to vector<16xf32>
    %swap3A_41 = arith.constant 96 : index
    %swap3A_42 = tpu.vector_load %arg12[%swap3A_41] {strides = array<i32>} : memref<128xf32, #tpu.memory_space<vmem>>, vector<16xf32>,
    %swap3A_43 = vector.shape_cast %swap3A_42 : vector<16xf32> to vector<16xf32>
    %swap3A_44 = vector.shape_cast %broadcast_in_dim3A_40 : vector<16xf32> to vector<16xf32>
    tpu.vector_store %arg12[%swap3A_41], %swap3A_44 {strides = array<i32>} : memref<128xf32, #tpu.memory_space<vmem>>, vector<16xf32>,
    %broadcast_in_dim3A_45 = arith.constant 1.000000e+00 : f32
    %broadcast_in_dim3A_46 = vector.broadcast %broadcast_in_dim3A_45 : f32 to vector<16xf32>
    %swap3A_47 = arith.constant 112 : index
    %swap3A_48 = tpu.vector_load %arg12[%swap3A_47] {strides = array<i32>} : memref<128xf32, #tpu.memory_space<vmem>>, vector<16xf32>,
    %swap3A_49 = vector.shape_cast %swap3A_48 : vector<16xf32> to vector<16xf32>
    %swap3A_50 = vector.shape_cast %broadcast_in_dim3A_46 : vector<16xf32> to vector<16xf32>
    tpu.vector_store %arg12[%swap3A_47], %swap3A_50 {strides = array<i32>} : memref<128xf32, #tpu.memory_space<vmem>>, vector<16xf32>,
    %barrier3A = arith.constant 0 : index
    tpu.barrier barrier_id(%barrier3A)
    "tpu.region"() ({
      %run_scoped3A = tpu.sem_alloc : memref<!tpu.dma_semaphore, #tpu.memory_space<semaphore_mem>>
      %dma_start3A_123 = arith.constant 0 : i32
      %dma_start3A_124 = arith.constant 0 : i32
      %dma_start3A_125 = tpu.memref_slice %arg3[%add3A, %dma_start3A_123, %dma_start3A_124] : memref<32x80x128xi32, #tpu.memory_space<hbm>> -> memref<1x40x128xi32, #tpu.memory_space<hbm>>
      %dma_start3A_126 = tpu.memref_squeeze %dma_start3A_125 : memref<1x40x128xi32, #tpu.memory_space<hbm>> -> memref<40x128xi32, #tpu.memory_space<hbm>>
      %dma_start3A_127 = arith.constant 0 : i32
      %dma_start3A_128 = arith.constant 0 : i32
      %dma_start3A_129 = tpu.memref_slice %arg3[%add3A, %dma_start3A_127, %dma_start3A_128] : memref<32x80x128xi32, #tpu.memory_space<hbm>> -> memref<1x40x128xi32, #tpu.memory_space<hbm>>
      %dma_start3A_130 = tpu.memref_squeeze %dma_start3A_129 : memref<1x40x128xi32, #tpu.memory_space<hbm>> -> memref<40x128xi32, #tpu.memory_space<hbm>>
      tpu.enqueue_dma source(%dma_start3A_130 : memref<40x128xi32, #tpu.memory_space<hbm>>) target(%arg9 : memref<40x128xi32, #tpu.memory_space<vmem>>) target_semaphore(%run_scoped3A : memref<!tpu.dma_semaphore, #tpu.memory_space<semaphore_mem>>)
      %dma_wait3A_131 = arith.constant 0 : i32
      %dma_wait3A_132 = arith.constant 0 : i32
      %dma_wait3A_133 = tpu.memref_slice %arg3[%add3A, %dma_wait3A_131, %dma_wait3A_132] : memref<32x80x128xi32, #tpu.memory_space<hbm>> -> memref<1x40x128xi32, #tpu.memory_space<hbm>>
      %dma_wait3A_134 = tpu.memref_squeeze %dma_wait3A_133 : memref<1x40x128xi32, #tpu.memory_space<hbm>> -> memref<40x128xi32, #tpu.memory_space<hbm>>
      %dma_wait3A_135 = arith.constant 0 : i32
      %dma_wait3A_136 = arith.constant 0 : i32
      %dma_wait3A_137 = tpu.memref_slice %arg3[%add3A, %dma_wait3A_135, %dma_wait3A_136] : memref<32x80x128xi32, #tpu.memory_space<hbm>> -> memref<1x40x128xi32, #tpu.memory_space<hbm>>
      %dma_wait3A_138 = tpu.memref_squeeze %dma_wait3A_137 : memref<1x40x128xi32, #tpu.memory_space<hbm>> -> memref<40x128xi32, #tpu.memory_space<hbm>>
      tpu.wait_dma2 semaphore(%run_scoped3A : memref<!tpu.dma_semaphore, #tpu.memory_space<semaphore_mem>>) src(%dma_wait3A_138 : memref<40x128xi32, #tpu.memory_space<hbm>>) dst(%arg9 : memref<40x128xi32, #tpu.memory_space<vmem>>)
      tpu.yield
    }) : () -> ()
    "tpu.region"() ({
      %run_scoped3A = tpu.sem_alloc : memref<!tpu.dma_semaphore, #tpu.memory_space<semaphore_mem>>
      %dma_start3A_123 = arith.constant 0 : i32
      %dma_start3A_124 = arith.constant 0 : i32
      %dma_start3A_125 = tpu.memref_slice %arg4[%add3A, %dma_start3A_123, %dma_start3A_124] : memref<32x80x128xi32, #tpu.memory_space<hbm>> -> memref<1x40x128xi32, #tpu.memory_space<hbm>>
      %dma_start3A_126 = tpu.memref_squeeze %dma_start3A_125 : memref<1x40x128xi32, #tpu.memory_space<hbm>> -> memref<40x128xi32, #tpu.memory_space<hbm>>
      %dma_start3A_127 = arith.constant 0 : i32
      %dma_start3A_128 = arith.constant 0 : i32
      %dma_start3A_129 = tpu.memref_slice %arg4[%add3A, %dma_start3A_127, %dma_start3A_128] : memref<32x80x128xi32, #tpu.memory_space<hbm>> -> memref<1x40x128xi32, #tpu.memory_space<hbm>>
      %dma_start3A_130 = tpu.memref_squeeze %dma_start3A_129 : memref<1x40x128xi32, #tpu.memory_space<hbm>> -> memref<40x128xi32, #tpu.memory_space<hbm>>
      tpu.enqueue_dma source(%dma_start3A_130 : memref<40x128xi32, #tpu.memory_space<hbm>>) target(%arg10 : memref<40x128xi32, #tpu.memory_space<vmem>>) target_semaphore(%run_scoped3A : memref<!tpu.dma_semaphore, #tpu.memory_space<semaphore_mem>>)
      %dma_wait3A_131 = arith.constant 0 : i32
      %dma_wait3A_132 = arith.constant 0 : i32
      %dma_wait3A_133 = tpu.memref_slice %arg4[%add3A, %dma_wait3A_131, %dma_wait3A_132] : memref<32x80x128xi32, #tpu.memory_space<hbm>> -> memref<1x40x128xi32, #tpu.memory_space<hbm>>
      %dma_wait3A_134 = tpu.memref_squeeze %dma_wait3A_133 : memref<1x40x128xi32, #tpu.memory_space<hbm>> -> memref<40x128xi32, #tpu.memory_space<hbm>>
      %dma_wait3A_135 = arith.constant 0 : i32
      %dma_wait3A_136 = arith.constant 0 : i32
      %dma_wait3A_137 = tpu.memref_slice %arg4[%add3A, %dma_wait3A_135, %dma_wait3A_136] : memref<32x80x128xi32, #tpu.memory_space<hbm>> -> memref<1x40x128xi32, #tpu.memory_space<hbm>>
      %dma_wait3A_138 = tpu.memref_squeeze %dma_wait3A_137 : memref<1x40x128xi32, #tpu.memory_space<hbm>> -> memref<40x128xi32, #tpu.memory_space<hbm>>
      tpu.wait_dma2 semaphore(%run_scoped3A : memref<!tpu.dma_semaphore, #tpu.memory_space<semaphore_mem>>) src(%dma_wait3A_138 : memref<40x128xi32, #tpu.memory_space<hbm>>) dst(%arg10 : memref<40x128xi32, #tpu.memory_space<vmem>>)
      tpu.yield
    }) : () -> ()
    %dma_start3A = arith.constant 0 : i32
    %dma_start3A_51 = arith.constant 0 : i32
    %dma_start3A_52 = arith.constant 0 : i32
    %dma_start3A_53 = arith.constant 0 : i32
    %dma_start3A_54 = tpu.memref_slice %arg11[%dma_start3A_51, %dma_start3A_52, %dma_start3A_53] : memref<2x128x128xf32, #tpu.memory_space<vmem>> -> memref<1x128x128xf32, #tpu.memory_space<vmem>>
    %dma_start3A_55 = tpu.memref_squeeze %dma_start3A_54 : memref<1x128x128xf32, #tpu.memory_space<vmem>> -> memref<128x128xf32, #tpu.memory_space<vmem>>
    %dma_start3A_56 = arith.constant 0 : i32
    %dma_start3A_57 = tpu.memref_slice %arg9[%dma_start3A, %dma_start3A_56] : memref<40x128xi32, #tpu.memory_space<vmem>> -> memref<1x128xi32, #tpu.memory_space<vmem>>
    %dma_start3A_58 = tpu.memref_squeeze %dma_start3A_57 : memref<1x128xi32, #tpu.memory_space<vmem>> -> memref<128xi32, #tpu.memory_space<vmem>>
    %dma_start3A_59 = arith.constant 0 : i32
    %dma_start3A_60 = arith.constant 0 : i32
    %dma_start3A_61 = tpu.memref_slice %arg2[%dma_start3A_59, %dma_start3A_60] : memref<10000x128xf32, #tpu.memory_space<hbm>> -> memref<10000x128xf32, #tpu.memory_space<hbm>>
    tpu.enqueue_indirect_dma source(%dma_start3A_61 : memref<10000x128xf32, #tpu.memory_space<hbm>>) target(%dma_start3A_55 : memref<128x128xf32, #tpu.memory_space<vmem>>) offsets(%dma_start3A_58 : memref<128xi32, #tpu.memory_space<vmem>>) semaphore(%arg15 : memref<!tpu.dma_semaphore, #tpu.memory_space<semaphore_mem>>)
    %scan3A = arith.constant 0 : i32
    %scan3A_62 = arith.constant 0 : i32
    %scan3A_63 = arith.constant 20 : i32
    %scan3A_64 = arith.addi %scan3A_62, %scan3A_63 : i32
    %scan3A_65 = arith.constant 1 : i32
    scf.for %scan3A_123 = %scan3A_62 to %scan3A_64 step %scan3A_65  : i32 {
      %mul3A_124 = arith.constant 2 : i32
      %mul3A_125 = arith.muli %scan3A_123, %mul3A_124 : i32
      %add3A_126 = arith.constant 0 : i32
      %add3A_127 = arith.addi %mul3A_125, %add3A_126 : i32
      %ge3A = arith.constant 1 : i32
      %ge3A_128 = arith.cmpi sge, %add3A_127, %ge3A : i32
      %convert_element_type3A = arith.extui %ge3A_128 : i1 to i32
      %cond3A = arith.constant 0 : i32
      %cond3A_129 = arith.cmpi ne, %convert_element_type3A, %cond3A : i32
      scf.if %cond3A_129 {
        %dma_wait3A_204 = arith.constant 0 : i32
        %dma_wait3A_205 = arith.constant 0 : i32
        %dma_wait3A_206 = arith.constant 0 : i32
        %dma_wait3A_207 = arith.constant 0 : i32
        %dma_wait3A_208 = tpu.memref_slice %arg11[%dma_wait3A_204, %dma_wait3A_206, %dma_wait3A_207] : memref<2x128x128xf32, #tpu.memory_space<vmem>> -> memref<1x128x128xf32, #tpu.memory_space<vmem>>
        %dma_wait3A_209 = tpu.memref_squeeze %dma_wait3A_208 : memref<1x128x128xf32, #tpu.memory_space<vmem>> -> memref<128x128xf32, #tpu.memory_space<vmem>>
        %dma_wait3A_210 = arith.constant 0 : i32
        %dma_wait3A_211 = tpu.memref_slice %arg10[%dma_wait3A_205, %dma_wait3A_210] : memref<40x128xi32, #tpu.memory_space<vmem>> -> memref<1x128xi32, #tpu.memory_space<vmem>>
        %dma_wait3A_212 = tpu.memref_squeeze %dma_wait3A_211 : memref<1x128xi32, #tpu.memory_space<vmem>> -> memref<128xi32, #tpu.memory_space<vmem>>
        %dma_wait3A_213 = arith.constant 0 : i32
        %dma_wait3A_214 = arith.constant 0 : i32
        %dma_wait3A_215 = tpu.memref_slice %arg13[%dma_wait3A_213, %dma_wait3A_214] : memref<10240x128xf32, #tpu.memory_space<vmem_shared>> -> memref<10240x128xf32, #tpu.memory_space<vmem_shared>>
        tpu.wait_indirect_dma semaphore(%arg16 : memref<!tpu.dma_semaphore, #tpu.memory_space<semaphore_mem>>) src(%dma_wait3A_209 : memref<128x128xf32, #tpu.memory_space<vmem>>) dst(%dma_wait3A_215 : memref<10240x128xf32, #tpu.memory_space<vmem_shared>>)
        %dma_wait3A_216 = arith.constant 0 : i32
        %dma_wait3A_217 = arith.constant 0 : i32
        %dma_wait3A_218 = tpu.memref_slice %arg10[%dma_wait3A_216, %dma_wait3A_217] : memref<40x128xi32, #tpu.memory_space<vmem>> -> memref<1x128xi32, #tpu.memory_space<vmem>>
        %dma_wait3A_219 = tpu.memref_squeeze %dma_wait3A_218 : memref<1x128xi32, #tpu.memory_space<vmem>> -> memref<128xi32, #tpu.memory_space<vmem>>
        %dma_wait3A_220 = arith.constant 0 : i32
        %dma_wait3A_221 = tpu.memref_slice %arg14[%dma_wait3A_220] : memref<10240xf32, #tpu.memory_space<vmem_shared>> -> memref<10240xf32, #tpu.memory_space<vmem_shared>>
        tpu.wait_indirect_dma semaphore(%arg17 : memref<!tpu.dma_semaphore, #tpu.memory_space<semaphore_mem>>) src(%arg12 : memref<128xf32, #tpu.memory_space<vmem>>) dst(%dma_wait3A_221 : memref<10240xf32, #tpu.memory_space<vmem_shared>>)
      } else {
      }
      %add3A_130 = arith.constant 1 : i32
      %add3A_131 = arith.addi %add3A_127, %add3A_130 : i32
      %lt3A = arith.constant 40 : i32
      %lt3A_132 = arith.cmpi slt, %add3A_131, %lt3A : i32
      %convert_element_type3A_133 = arith.extui %lt3A_132 : i1 to i32
      %cond3A_134 = arith.constant 0 : i32
      %cond3A_135 = arith.cmpi ne, %convert_element_type3A_133, %cond3A_134 : i32
      scf.if %cond3A_135 {
        %add3A_204 = arith.constant 1 : i32
        %add3A_205 = arith.addi %add3A_127, %add3A_204 : i32
        %dma_start3A_206 = arith.constant 1 : i32
        %dma_start3A_207 = arith.constant 0 : i32
        %dma_start3A_208 = arith.constant 0 : i32
        %dma_start3A_209 = tpu.memref_slice %arg11[%dma_start3A_206, %dma_start3A_207, %dma_start3A_208] : memref<2x128x128xf32, #tpu.memory_space<vmem>> -> memref<1x128x128xf32, #tpu.memory_space<vmem>>
        %dma_start3A_210 = tpu.memref_squeeze %dma_start3A_209 : memref<1x128x128xf32, #tpu.memory_space<vmem>> -> memref<128x128xf32, #tpu.memory_space<vmem>>
        %dma_start3A_211 = arith.constant 0 : i32
        %dma_start3A_212 = tpu.memref_slice %arg9[%add3A_205, %dma_start3A_211] : memref<40x128xi32, #tpu.memory_space<vmem>> -> memref<1x128xi32, #tpu.memory_space<vmem>>
        %dma_start3A_213 = tpu.memref_squeeze %dma_start3A_212 : memref<1x128xi32, #tpu.memory_space<vmem>> -> memref<128xi32, #tpu.memory_space<vmem>>
        %dma_start3A_214 = arith.constant 0 : i32
        %dma_start3A_215 = arith.constant 0 : i32
        %dma_start3A_216 = tpu.memref_slice %arg2[%dma_start3A_214, %dma_start3A_215] : memref<10000x128xf32, #tpu.memory_space<hbm>> -> memref<10000x128xf32, #tpu.memory_space<hbm>>
        tpu.enqueue_indirect_dma source(%dma_start3A_216 : memref<10000x128xf32, #tpu.memory_space<hbm>>) target(%dma_start3A_210 : memref<128x128xf32, #tpu.memory_space<vmem>>) offsets(%dma_start3A_213 : memref<128xi32, #tpu.memory_space<vmem>>) semaphore(%arg15 : memref<!tpu.dma_semaphore, #tpu.memory_space<semaphore_mem>>)
      } else {
      }
      %dma_wait3A_136 = arith.constant 0 : i32
      %dma_wait3A_137 = arith.constant 0 : i32
      %dma_wait3A_138 = arith.constant 0 : i32
      %dma_wait3A_139 = tpu.memref_slice %arg11[%dma_wait3A_136, %dma_wait3A_137, %dma_wait3A_138] : memref<2x128x128xf32, #tpu.memory_space<vmem>> -> memref<1x128x128xf32, #tpu.memory_space<vmem>>
      %dma_wait3A_140 = tpu.memref_squeeze %dma_wait3A_139 : memref<1x128x128xf32, #tpu.memory_space<vmem>> -> memref<128x128xf32, #tpu.memory_space<vmem>>
      %dma_wait3A_141 = arith.constant 0 : i32
      %dma_wait3A_142 = tpu.memref_slice %arg9[%add3A_127, %dma_wait3A_141] : memref<40x128xi32, #tpu.memory_space<vmem>> -> memref<1x128xi32, #tpu.memory_space<vmem>>
      %dma_wait3A_143 = tpu.memref_squeeze %dma_wait3A_142 : memref<1x128xi32, #tpu.memory_space<vmem>> -> memref<128xi32, #tpu.memory_space<vmem>>
      %dma_wait3A_144 = arith.constant 0 : i32
      %dma_wait3A_145 = arith.constant 0 : i32
      %dma_wait3A_146 = tpu.memref_slice %arg2[%dma_wait3A_144, %dma_wait3A_145] : memref<10000x128xf32, #tpu.memory_space<hbm>> -> memref<10000x128xf32, #tpu.memory_space<hbm>>
      tpu.wait_indirect_dma semaphore(%arg15 : memref<!tpu.dma_semaphore, #tpu.memory_space<semaphore_mem>>) src(%dma_wait3A_146 : memref<10000x128xf32, #tpu.memory_space<hbm>>) dst(%dma_wait3A_140 : memref<128x128xf32, #tpu.memory_space<vmem>>)
      %dma_start3A_147 = arith.constant 0 : i32
      %dma_start3A_148 = arith.constant 0 : i32
      %dma_start3A_149 = arith.constant 0 : i32
      %dma_start3A_150 = tpu.memref_slice %arg11[%dma_start3A_147, %dma_start3A_148, %dma_start3A_149] : memref<2x128x128xf32, #tpu.memory_space<vmem>> -> memref<1x128x128xf32, #tpu.memory_space<vmem>>
      %dma_start3A_151 = tpu.memref_squeeze %dma_start3A_150 : memref<1x128x128xf32, #tpu.memory_space<vmem>> -> memref<128x128xf32, #tpu.memory_space<vmem>>
      %dma_start3A_152 = arith.constant 0 : i32
      %dma_start3A_153 = tpu.memref_slice %arg10[%add3A_127, %dma_start3A_152] : memref<40x128xi32, #tpu.memory_space<vmem>> -> memref<1x128xi32, #tpu.memory_space<vmem>>
      %dma_start3A_154 = tpu.memref_squeeze %dma_start3A_153 : memref<1x128xi32, #tpu.memory_space<vmem>> -> memref<128xi32, #tpu.memory_space<vmem>>
      %dma_start3A_155 = arith.constant 0 : i32
      %dma_start3A_156 = arith.constant 0 : i32
      %dma_start3A_157 = tpu.memref_slice %arg13[%dma_start3A_155, %dma_start3A_156] : memref<10240x128xf32, #tpu.memory_space<vmem_shared>> -> memref<10240x128xf32, #tpu.memory_space<vmem_shared>>
      tpu.enqueue_indirect_dma source(%dma_start3A_151 : memref<128x128xf32, #tpu.memory_space<vmem>>) target(%dma_start3A_157 : memref<10240x128xf32, #tpu.memory_space<vmem_shared>>) offsets(%dma_start3A_154 : memref<128xi32, #tpu.memory_space<vmem>>) semaphore(%arg16 : memref<!tpu.dma_semaphore, #tpu.memory_space<semaphore_mem>>) {add = true}
      %dma_start3A_158 = arith.constant 0 : i32
      %dma_start3A_159 = tpu.memref_slice %arg10[%add3A_127, %dma_start3A_158] : memref<40x128xi32, #tpu.memory_space<vmem>> -> memref<1x128xi32, #tpu.memory_space<vmem>>
      %dma_start3A_160 = tpu.memref_squeeze %dma_start3A_159 : memref<1x128xi32, #tpu.memory_space<vmem>> -> memref<128xi32, #tpu.memory_space<vmem>>
      %dma_start3A_161 = arith.constant 0 : i32
      %dma_start3A_162 = tpu.memref_slice %arg14[%dma_start3A_161] : memref<10240xf32, #tpu.memory_space<vmem_shared>> -> memref<10240xf32, #tpu.memory_space<vmem_shared>>
      tpu.enqueue_indirect_dma source(%arg12 : memref<128xf32, #tpu.memory_space<vmem>>) target(%dma_start3A_162 : memref<10240xf32, #tpu.memory_space<vmem_shared>>) offsets(%dma_start3A_160 : memref<128xi32, #tpu.memory_space<vmem>>) semaphore(%arg17 : memref<!tpu.dma_semaphore, #tpu.memory_space<semaphore_mem>>) {add = true}
      %add3A_163 = arith.constant 1 : i32
      %add3A_164 = arith.addi %mul3A_125, %add3A_163 : i32
      %ge3A_165 = arith.constant 1 : i32
      %ge3A_166 = arith.cmpi sge, %add3A_164, %ge3A_165 : i32
      %convert_element_type3A_167 = arith.extui %ge3A_166 : i1 to i32
      %cond3A_168 = arith.constant 0 : i32
      %cond3A_169 = arith.cmpi ne, %convert_element_type3A_167, %cond3A_168 : i32
      scf.if %cond3A_169 {
        %dma_wait3A_204 = arith.constant 0 : i32
        %dma_wait3A_205 = arith.constant 0 : i32
        %dma_wait3A_206 = arith.constant 0 : i32
        %dma_wait3A_207 = arith.constant 0 : i32
        %dma_wait3A_208 = tpu.memref_slice %arg11[%dma_wait3A_204, %dma_wait3A_206, %dma_wait3A_207] : memref<2x128x128xf32, #tpu.memory_space<vmem>> -> memref<1x128x128xf32, #tpu.memory_space<vmem>>
        %dma_wait3A_209 = tpu.memref_squeeze %dma_wait3A_208 : memref<1x128x128xf32, #tpu.memory_space<vmem>> -> memref<128x128xf32, #tpu.memory_space<vmem>>
        %dma_wait3A_210 = arith.constant 0 : i32
        %dma_wait3A_211 = tpu.memref_slice %arg10[%dma_wait3A_205, %dma_wait3A_210] : memref<40x128xi32, #tpu.memory_space<vmem>> -> memref<1x128xi32, #tpu.memory_space<vmem>>
        %dma_wait3A_212 = tpu.memref_squeeze %dma_wait3A_211 : memref<1x128xi32, #tpu.memory_space<vmem>> -> memref<128xi32, #tpu.memory_space<vmem>>
        %dma_wait3A_213 = arith.constant 0 : i32
        %dma_wait3A_214 = arith.constant 0 : i32
        %dma_wait3A_215 = tpu.memref_slice %arg13[%dma_wait3A_213, %dma_wait3A_214] : memref<10240x128xf32, #tpu.memory_space<vmem_shared>> -> memref<10240x128xf32, #tpu.memory_space<vmem_shared>>
        tpu.wait_indirect_dma semaphore(%arg16 : memref<!tpu.dma_semaphore, #tpu.memory_space<semaphore_mem>>) src(%dma_wait3A_209 : memref<128x128xf32, #tpu.memory_space<vmem>>) dst(%dma_wait3A_215 : memref<10240x128xf32, #tpu.memory_space<vmem_shared>>)
        %dma_wait3A_216 = arith.constant 0 : i32
        %dma_wait3A_217 = arith.constant 0 : i32
        %dma_wait3A_218 = tpu.memref_slice %arg10[%dma_wait3A_216, %dma_wait3A_217] : memref<40x128xi32, #tpu.memory_space<vmem>> -> memref<1x128xi32, #tpu.memory_space<vmem>>
        %dma_wait3A_219 = tpu.memref_squeeze %dma_wait3A_218 : memref<1x128xi32, #tpu.memory_space<vmem>> -> memref<128xi32, #tpu.memory_space<vmem>>
        %dma_wait3A_220 = arith.constant 0 : i32
        %dma_wait3A_221 = tpu.memref_slice %arg14[%dma_wait3A_220] : memref<10240xf32, #tpu.memory_space<vmem_shared>> -> memref<10240xf32, #tpu.memory_space<vmem_shared>>
        tpu.wait_indirect_dma semaphore(%arg17 : memref<!tpu.dma_semaphore, #tpu.memory_space<semaphore_mem>>) src(%arg12 : memref<128xf32, #tpu.memory_space<vmem>>) dst(%dma_wait3A_221 : memref<10240xf32, #tpu.memory_space<vmem_shared>>)
      } else {
      }
      %add3A_170 = arith.constant 1 : i32
      %add3A_171 = arith.addi %add3A_164, %add3A_170 : i32
      %lt3A_172 = arith.constant 40 : i32
      %lt3A_173 = arith.cmpi slt, %add3A_171, %lt3A_172 : i32
      %convert_element_type3A_174 = arith.extui %lt3A_173 : i1 to i32
      %cond3A_175 = arith.constant 0 : i32
      %cond3A_176 = arith.cmpi ne, %convert_element_type3A_174, %cond3A_175 : i32
      scf.if %cond3A_176 {
        %add3A_204 = arith.constant 1 : i32
        %add3A_205 = arith.addi %add3A_164, %add3A_204 : i32
        %dma_start3A_206 = arith.constant 0 : i32
        %dma_start3A_207 = arith.constant 0 : i32
        %dma_start3A_208 = arith.constant 0 : i32
        %dma_start3A_209 = tpu.memref_slice %arg11[%dma_start3A_206, %dma_start3A_207, %dma_start3A_208] : memref<2x128x128xf32, #tpu.memory_space<vmem>> -> memref<1x128x128xf32, #tpu.memory_space<vmem>>
        %dma_start3A_210 = tpu.memref_squeeze %dma_start3A_209 : memref<1x128x128xf32, #tpu.memory_space<vmem>> -> memref<128x128xf32, #tpu.memory_space<vmem>>
        %dma_start3A_211 = arith.constant 0 : i32
        %dma_start3A_212 = tpu.memref_slice %arg9[%add3A_205, %dma_start3A_211] : memref<40x128xi32, #tpu.memory_space<vmem>> -> memref<1x128xi32, #tpu.memory_space<vmem>>
        %dma_start3A_213 = tpu.memref_squeeze %dma_start3A_212 : memref<1x128xi32, #tpu.memory_space<vmem>> -> memref<128xi32, #tpu.memory_space<vmem>>
        %dma_start3A_214 = arith.constant 0 : i32
        %dma_start3A_215 = arith.constant 0 : i32
        %dma_start3A_216 = tpu.memref_slice %arg2[%dma_start3A_214, %dma_start3A_215] : memref<10000x128xf32, #tpu.memory_space<hbm>> -> memref<10000x128xf32, #tpu.memory_space<hbm>>
        tpu.enqueue_indirect_dma source(%dma_start3A_216 : memref<10000x128xf32, #tpu.memory_space<hbm>>) target(%dma_start3A_210 : memref<128x128xf32, #tpu.memory_space<vmem>>) offsets(%dma_start3A_213 : memref<128xi32, #tpu.memory_space<vmem>>) semaphore(%arg15 : memref<!tpu.dma_semaphore, #tpu.memory_space<semaphore_mem>>)
      } else {
      }
      %dma_wait3A_177 = arith.constant 1 : i32
      %dma_wait3A_178 = arith.constant 0 : i32
      %dma_wait3A_179 = arith.constant 0 : i32
      %dma_wait3A_180 = tpu.memref_slice %arg11[%dma_wait3A_177, %dma_wait3A_178, %dma_wait3A_179] : memref<2x128x128xf32, #tpu.memory_space<vmem>> -> memref<1x128x128xf32, #tpu.memory_space<vmem>>
      %dma_wait3A_181 = tpu.memref_squeeze %dma_wait3A_180 : memref<1x128x128xf32, #tpu.memory_space<vmem>> -> memref<128x128xf32, #tpu.memory_space<vmem>>
      %dma_wait3A_182 = arith.constant 0 : i32
      %dma_wait3A_183 = tpu.memref_slice %arg9[%add3A_164, %dma_wait3A_182] : memref<40x128xi32, #tpu.memory_space<vmem>> -> memref<1x128xi32, #tpu.memory_space<vmem>>
      %dma_wait3A_184 = tpu.memref_squeeze %dma_wait3A_183 : memref<1x128xi32, #tpu.memory_space<vmem>> -> memref<128xi32, #tpu.memory_space<vmem>>
      %dma_wait3A_185 = arith.constant 0 : i32
      %dma_wait3A_186 = arith.constant 0 : i32
      %dma_wait3A_187 = tpu.memref_slice %arg2[%dma_wait3A_185, %dma_wait3A_186] : memref<10000x128xf32, #tpu.memory_space<hbm>> -> memref<10000x128xf32, #tpu.memory_space<hbm>>
      tpu.wait_indirect_dma semaphore(%arg15 : memref<!tpu.dma_semaphore, #tpu.memory_space<semaphore_mem>>) src(%dma_wait3A_187 : memref<10000x128xf32, #tpu.memory_space<hbm>>) dst(%dma_wait3A_181 : memref<128x128xf32, #tpu.memory_space<vmem>>)
      %dma_start3A_188 = arith.constant 1 : i32
      %dma_start3A_189 = arith.constant 0 : i32
      %dma_start3A_190 = arith.constant 0 : i32
      %dma_start3A_191 = tpu.memref_slice %arg11[%dma_start3A_188, %dma_start3A_189, %dma_start3A_190] : memref<2x128x128xf32, #tpu.memory_space<vmem>> -> memref<1x128x128xf32, #tpu.memory_space<vmem>>
      %dma_start3A_192 = tpu.memref_squeeze %dma_start3A_191 : memref<1x128x128xf32, #tpu.memory_space<vmem>> -> memref<128x128xf32, #tpu.memory_space<vmem>>
      %dma_start3A_193 = arith.constant 0 : i32
      %dma_start3A_194 = tpu.memref_slice %arg10[%add3A_164, %dma_start3A_193] : memref<40x128xi32, #tpu.memory_space<vmem>> -> memref<1x128xi32, #tpu.memory_space<vmem>>
      %dma_start3A_195 = tpu.memref_squeeze %dma_start3A_194 : memref<1x128xi32, #tpu.memory_space<vmem>> -> memref<128xi32, #tpu.memory_space<vmem>>
      %dma_start3A_196 = arith.constant 0 : i32
      %dma_start3A_197 = arith.constant 0 : i32
      %dma_start3A_198 = tpu.memref_slice %arg13[%dma_start3A_196, %dma_start3A_197] : memref<10240x128xf32, #tpu.memory_space<vmem_shared>> -> memref<10240x128xf32, #tpu.memory_space<vmem_shared>>
      tpu.enqueue_indirect_dma source(%dma_start3A_192 : memref<128x128xf32, #tpu.memory_space<vmem>>) target(%dma_start3A_198 : memref<10240x128xf32, #tpu.memory_space<vmem_shared>>) offsets(%dma_start3A_195 : memref<128xi32, #tpu.memory_space<vmem>>) semaphore(%arg16 : memref<!tpu.dma_semaphore, #tpu.memory_space<semaphore_mem>>) {add = true}
      %dma_start3A_199 = arith.constant 0 : i32
      %dma_start3A_200 = tpu.memref_slice %arg10[%add3A_164, %dma_start3A_199] : memref<40x128xi32, #tpu.memory_space<vmem>> -> memref<1x128xi32, #tpu.memory_space<vmem>>
      %dma_start3A_201 = tpu.memref_squeeze %dma_start3A_200 : memref<1x128xi32, #tpu.memory_space<vmem>> -> memref<128xi32, #tpu.memory_space<vmem>>
      %dma_start3A_202 = arith.constant 0 : i32
      %dma_start3A_203 = tpu.memref_slice %arg14[%dma_start3A_202] : memref<10240xf32, #tpu.memory_space<vmem_shared>> -> memref<10240xf32, #tpu.memory_space<vmem_shared>>
      tpu.enqueue_indirect_dma source(%arg12 : memref<128xf32, #tpu.memory_space<vmem>>) target(%dma_start3A_203 : memref<10240xf32, #tpu.memory_space<vmem_shared>>) offsets(%dma_start3A_201 : memref<128xi32, #tpu.memory_space<vmem>>) semaphore(%arg17 : memref<!tpu.dma_semaphore, #tpu.memory_space<semaphore_mem>>) {add = true}
    }
    %scan3A_66 = arith.constant 20 : i32
    %dma_wait3A = arith.constant 0 : i32
    %dma_wait3A_67 = arith.constant 0 : i32
    %dma_wait3A_68 = arith.constant 0 : i32
    %dma_wait3A_69 = arith.constant 0 : i32
    %dma_wait3A_70 = tpu.memref_slice %arg11[%dma_wait3A, %dma_wait3A_68, %dma_wait3A_69] : memref<2x128x128xf32, #tpu.memory_space<vmem>> -> memref<1x128x128xf32, #tpu.memory_space<vmem>>
    %dma_wait3A_71 = tpu.memref_squeeze %dma_wait3A_70 : memref<1x128x128xf32, #tpu.memory_space<vmem>> -> memref<128x128xf32, #tpu.memory_space<vmem>>
    %dma_wait3A_72 = arith.constant 0 : i32
    %dma_wait3A_73 = tpu.memref_slice %arg10[%dma_wait3A_67, %dma_wait3A_72] : memref<40x128xi32, #tpu.memory_space<vmem>> -> memref<1x128xi32, #tpu.memory_space<vmem>>
    %dma_wait3A_74 = tpu.memref_squeeze %dma_wait3A_73 : memref<1x128xi32, #tpu.memory_space<vmem>> -> memref<128xi32, #tpu.memory_space<vmem>>
    %dma_wait3A_75 = arith.constant 0 : i32
    %dma_wait3A_76 = arith.constant 0 : i32
    %dma_wait3A_77 = tpu.memref_slice %arg13[%dma_wait3A_75, %dma_wait3A_76] : memref<10240x128xf32, #tpu.memory_space<vmem_shared>> -> memref<10240x128xf32, #tpu.memory_space<vmem_shared>>
    tpu.wait_indirect_dma semaphore(%arg16 : memref<!tpu.dma_semaphore, #tpu.memory_space<semaphore_mem>>) src(%dma_wait3A_71 : memref<128x128xf32, #tpu.memory_space<vmem>>) dst(%dma_wait3A_77 : memref<10240x128xf32, #tpu.memory_space<vmem_shared>>)
    %dma_wait3A_78 = arith.constant 0 : i32
    %dma_wait3A_79 = arith.constant 0 : i32
    %dma_wait3A_80 = tpu.memref_slice %arg10[%dma_wait3A_78, %dma_wait3A_79] : memref<40x128xi32, #tpu.memory_space<vmem>> -> memref<1x128xi32, #tpu.memory_space<vmem>>
    %dma_wait3A_81 = tpu.memref_squeeze %dma_wait3A_80 : memref<1x128xi32, #tpu.memory_space<vmem>> -> memref<128xi32, #tpu.memory_space<vmem>>
    %dma_wait3A_82 = arith.constant 0 : i32
    %dma_wait3A_83 = tpu.memref_slice %arg14[%dma_wait3A_82] : memref<10240xf32, #tpu.memory_space<vmem_shared>> -> memref<10240xf32, #tpu.memory_space<vmem_shared>>
    tpu.wait_indirect_dma semaphore(%arg17 : memref<!tpu.dma_semaphore, #tpu.memory_space<semaphore_mem>>) src(%arg12 : memref<128xf32, #tpu.memory_space<vmem>>) dst(%dma_wait3A_83 : memref<10240xf32, #tpu.memory_space<vmem_shared>>)
    "tpu.region"() ({
      %run_scoped3A = tpu.sem_alloc : memref<!tpu.dma_semaphore, #tpu.memory_space<semaphore_mem>>
      %dma_start3A_123 = arith.constant 40 : i32
      %dma_start3A_124 = arith.constant 0 : i32
      %dma_start3A_125 = tpu.memref_slice %arg3[%add3A, %dma_start3A_123, %dma_start3A_124] : memref<32x80x128xi32, #tpu.memory_space<hbm>> -> memref<1x40x128xi32, #tpu.memory_space<hbm>>
      %dma_start3A_126 = tpu.memref_squeeze %dma_start3A_125 : memref<1x40x128xi32, #tpu.memory_space<hbm>> -> memref<40x128xi32, #tpu.memory_space<hbm>>
      %dma_start3A_127 = arith.constant 40 : i32
      %dma_start3A_128 = arith.constant 0 : i32
      %dma_start3A_129 = tpu.memref_slice %arg3[%add3A, %dma_start3A_127, %dma_start3A_128] : memref<32x80x128xi32, #tpu.memory_space<hbm>> -> memref<1x40x128xi32, #tpu.memory_space<hbm>>
      %dma_start3A_130 = tpu.memref_squeeze %dma_start3A_129 : memref<1x40x128xi32, #tpu.memory_space<hbm>> -> memref<40x128xi32, #tpu.memory_space<hbm>>
      tpu.enqueue_dma source(%dma_start3A_130 : memref<40x128xi32, #tpu.memory_space<hbm>>) target(%arg9 : memref<40x128xi32, #tpu.memory_space<vmem>>) target_semaphore(%run_scoped3A : memref<!tpu.dma_semaphore, #tpu.memory_space<semaphore_mem>>)
      %dma_wait3A_131 = arith.constant 40 : i32
      %dma_wait3A_132 = arith.constant 0 : i32
      %dma_wait3A_133 = tpu.memref_slice %arg3[%add3A, %dma_wait3A_131, %dma_wait3A_132] : memref<32x80x128xi32, #tpu.memory_space<hbm>> -> memref<1x40x128xi32, #tpu.memory_space<hbm>>
      %dma_wait3A_134 = tpu.memref_squeeze %dma_wait3A_133 : memref<1x40x128xi32, #tpu.memory_space<hbm>> -> memref<40x128xi32, #tpu.memory_space<hbm>>
      %dma_wait3A_135 = arith.constant 40 : i32
      %dma_wait3A_136 = arith.constant 0 : i32
      %dma_wait3A_137 = tpu.memref_slice %arg3[%add3A, %dma_wait3A_135, %dma_wait3A_136] : memref<32x80x128xi32, #tpu.memory_space<hbm>> -> memref<1x40x128xi32, #tpu.memory_space<hbm>>
      %dma_wait3A_138 = tpu.memref_squeeze %dma_wait3A_137 : memref<1x40x128xi32, #tpu.memory_space<hbm>> -> memref<40x128xi32, #tpu.memory_space<hbm>>
      tpu.wait_dma2 semaphore(%run_scoped3A : memref<!tpu.dma_semaphore, #tpu.memory_space<semaphore_mem>>) src(%dma_wait3A_138 : memref<40x128xi32, #tpu.memory_space<hbm>>) dst(%arg9 : memref<40x128xi32, #tpu.memory_space<vmem>>)
      tpu.yield
    }) : () -> ()
    "tpu.region"() ({
      %run_scoped3A = tpu.sem_alloc : memref<!tpu.dma_semaphore, #tpu.memory_space<semaphore_mem>>
      %dma_start3A_123 = arith.constant 40 : i32
      %dma_start3A_124 = arith.constant 0 : i32
      %dma_start3A_125 = tpu.memref_slice %arg4[%add3A, %dma_start3A_123, %dma_start3A_124] : memref<32x80x128xi32, #tpu.memory_space<hbm>> -> memref<1x40x128xi32, #tpu.memory_space<hbm>>
      %dma_start3A_126 = tpu.memref_squeeze %dma_start3A_125 : memref<1x40x128xi32, #tpu.memory_space<hbm>> -> memref<40x128xi32, #tpu.memory_space<hbm>>
      %dma_start3A_127 = arith.constant 40 : i32
      %dma_start3A_128 = arith.constant 0 : i32
      %dma_start3A_129 = tpu.memref_slice %arg4[%add3A, %dma_start3A_127, %dma_start3A_128] : memref<32x80x128xi32, #tpu.memory_space<hbm>> -> memref<1x40x128xi32, #tpu.memory_space<hbm>>
      %dma_start3A_130 = tpu.memref_squeeze %dma_start3A_129 : memref<1x40x128xi32, #tpu.memory_space<hbm>> -> memref<40x128xi32, #tpu.memory_space<hbm>>
      tpu.enqueue_dma source(%dma_start3A_130 : memref<40x128xi32, #tpu.memory_space<hbm>>) target(%arg10 : memref<40x128xi32, #tpu.memory_space<vmem>>) target_semaphore(%run_scoped3A : memref<!tpu.dma_semaphore, #tpu.memory_space<semaphore_mem>>)
      %dma_wait3A_131 = arith.constant 40 : i32
      %dma_wait3A_132 = arith.constant 0 : i32
      %dma_wait3A_133 = tpu.memref_slice %arg4[%add3A, %dma_wait3A_131, %dma_wait3A_132] : memref<32x80x128xi32, #tpu.memory_space<hbm>> -> memref<1x40x128xi32, #tpu.memory_space<hbm>>
      %dma_wait3A_134 = tpu.memref_squeeze %dma_wait3A_133 : memref<1x40x128xi32, #tpu.memory_space<hbm>> -> memref<40x128xi32, #tpu.memory_space<hbm>>
      %dma_wait3A_135 = arith.constant 40 : i32
      %dma_wait3A_136 = arith.constant 0 : i32
      %dma_wait3A_137 = tpu.memref_slice %arg4[%add3A, %dma_wait3A_135, %dma_wait3A_136] : memref<32x80x128xi32, #tpu.memory_space<hbm>> -> memref<1x40x128xi32, #tpu.memory_space<hbm>>
      %dma_wait3A_138 = tpu.memref_squeeze %dma_wait3A_137 : memref<1x40x128xi32, #tpu.memory_space<hbm>> -> memref<40x128xi32, #tpu.memory_space<hbm>>
      tpu.wait_dma2 semaphore(%run_scoped3A : memref<!tpu.dma_semaphore, #tpu.memory_space<semaphore_mem>>) src(%dma_wait3A_138 : memref<40x128xi32, #tpu.memory_space<hbm>>) dst(%arg10 : memref<40x128xi32, #tpu.memory_space<vmem>>)
      tpu.yield
    }) : () -> ()
    %dma_start3A_84 = arith.constant 0 : i32
    %dma_start3A_85 = arith.constant 0 : i32
    %dma_start3A_86 = arith.constant 0 : i32
    %dma_start3A_87 = arith.constant 0 : i32
    %dma_start3A_88 = tpu.memref_slice %arg11[%dma_start3A_85, %dma_start3A_86, %dma_start3A_87] : memref<2x128x128xf32, #tpu.memory_space<vmem>> -> memref<1x128x128xf32, #tpu.memory_space<vmem>>
    %dma_start3A_89 = tpu.memref_squeeze %dma_start3A_88 : memref<1x128x128xf32, #tpu.memory_space<vmem>> -> memref<128x128xf32, #tpu.memory_space<vmem>>
    %dma_start3A_90 = arith.constant 0 : i32
    %dma_start3A_91 = tpu.memref_slice %arg9[%dma_start3A_84, %dma_start3A_90] : memref<40x128xi32, #tpu.memory_space<vmem>> -> memref<1x128xi32, #tpu.memory_space<vmem>>
    %dma_start3A_92 = tpu.memref_squeeze %dma_start3A_91 : memref<1x128xi32, #tpu.memory_space<vmem>> -> memref<128xi32, #tpu.memory_space<vmem>>
    %dma_start3A_93 = arith.constant 0 : i32
    %dma_start3A_94 = arith.constant 0 : i32
    %dma_start3A_95 = tpu.memref_slice %arg2[%dma_start3A_93, %dma_start3A_94] : memref<10000x128xf32, #tpu.memory_space<hbm>> -> memref<10000x128xf32, #tpu.memory_space<hbm>>
    tpu.enqueue_indirect_dma source(%dma_start3A_95 : memref<10000x128xf32, #tpu.memory_space<hbm>>) target(%dma_start3A_89 : memref<128x128xf32, #tpu.memory_space<vmem>>) offsets(%dma_start3A_92 : memref<128xi32, #tpu.memory_space<vmem>>) semaphore(%arg15 : memref<!tpu.dma_semaphore, #tpu.memory_space<semaphore_mem>>)
    %scan3A_96 = arith.constant 0 : i32
    %scan3A_97 = arith.constant 0 : i32
    %scan3A_98 = arith.constant 20 : i32
    %scan3A_99 = arith.addi %scan3A_97, %scan3A_98 : i32
    %scan3A_100 = arith.constant 1 : i32
    scf.for %scan3A_123 = %scan3A_97 to %scan3A_99 step %scan3A_100  : i32 {
      %mul3A_124 = arith.constant 2 : i32
      %mul3A_125 = arith.muli %scan3A_123, %mul3A_124 : i32
      %add3A_126 = arith.constant 0 : i32
      %add3A_127 = arith.addi %mul3A_125, %add3A_126 : i32
      %ge3A = arith.constant 1 : i32
      %ge3A_128 = arith.cmpi sge, %add3A_127, %ge3A : i32
      %convert_element_type3A = arith.extui %ge3A_128 : i1 to i32
      %cond3A = arith.constant 0 : i32
      %cond3A_129 = arith.cmpi ne, %convert_element_type3A, %cond3A : i32
      scf.if %cond3A_129 {
        %dma_wait3A_204 = arith.constant 0 : i32
        %dma_wait3A_205 = arith.constant 0 : i32
        %dma_wait3A_206 = arith.constant 0 : i32
        %dma_wait3A_207 = arith.constant 0 : i32
        %dma_wait3A_208 = tpu.memref_slice %arg11[%dma_wait3A_204, %dma_wait3A_206, %dma_wait3A_207] : memref<2x128x128xf32, #tpu.memory_space<vmem>> -> memref<1x128x128xf32, #tpu.memory_space<vmem>>
        %dma_wait3A_209 = tpu.memref_squeeze %dma_wait3A_208 : memref<1x128x128xf32, #tpu.memory_space<vmem>> -> memref<128x128xf32, #tpu.memory_space<vmem>>
        %dma_wait3A_210 = arith.constant 0 : i32
        %dma_wait3A_211 = tpu.memref_slice %arg10[%dma_wait3A_205, %dma_wait3A_210] : memref<40x128xi32, #tpu.memory_space<vmem>> -> memref<1x128xi32, #tpu.memory_space<vmem>>
        %dma_wait3A_212 = tpu.memref_squeeze %dma_wait3A_211 : memref<1x128xi32, #tpu.memory_space<vmem>> -> memref<128xi32, #tpu.memory_space<vmem>>
        %dma_wait3A_213 = arith.constant 0 : i32
        %dma_wait3A_214 = arith.constant 0 : i32
        %dma_wait3A_215 = tpu.memref_slice %arg13[%dma_wait3A_213, %dma_wait3A_214] : memref<10240x128xf32, #tpu.memory_space<vmem_shared>> -> memref<10240x128xf32, #tpu.memory_space<vmem_shared>>
        tpu.wait_indirect_dma semaphore(%arg16 : memref<!tpu.dma_semaphore, #tpu.memory_space<semaphore_mem>>) src(%dma_wait3A_209 : memref<128x128xf32, #tpu.memory_space<vmem>>) dst(%dma_wait3A_215 : memref<10240x128xf32, #tpu.memory_space<vmem_shared>>)
        %dma_wait3A_216 = arith.constant 0 : i32
        %dma_wait3A_217 = arith.constant 0 : i32
        %dma_wait3A_218 = tpu.memref_slice %arg10[%dma_wait3A_216, %dma_wait3A_217] : memref<40x128xi32, #tpu.memory_space<vmem>> -> memref<1x128xi32, #tpu.memory_space<vmem>>
        %dma_wait3A_219 = tpu.memref_squeeze %dma_wait3A_218 : memref<1x128xi32, #tpu.memory_space<vmem>> -> memref<128xi32, #tpu.memory_space<vmem>>
        %dma_wait3A_220 = arith.constant 0 : i32
        %dma_wait3A_221 = tpu.memref_slice %arg14[%dma_wait3A_220] : memref<10240xf32, #tpu.memory_space<vmem_shared>> -> memref<10240xf32, #tpu.memory_space<vmem_shared>>
        tpu.wait_indirect_dma semaphore(%arg17 : memref<!tpu.dma_semaphore, #tpu.memory_space<semaphore_mem>>) src(%arg12 : memref<128xf32, #tpu.memory_space<vmem>>) dst(%dma_wait3A_221 : memref<10240xf32, #tpu.memory_space<vmem_shared>>)
      } else {
      }
      %add3A_130 = arith.constant 1 : i32
      %add3A_131 = arith.addi %add3A_127, %add3A_130 : i32
      %lt3A = arith.constant 40 : i32
      %lt3A_132 = arith.cmpi slt, %add3A_131, %lt3A : i32
      %convert_element_type3A_133 = arith.extui %lt3A_132 : i1 to i32
      %cond3A_134 = arith.constant 0 : i32
      %cond3A_135 = arith.cmpi ne, %convert_element_type3A_133, %cond3A_134 : i32
      scf.if %cond3A_135 {
        %add3A_204 = arith.constant 1 : i32
        %add3A_205 = arith.addi %add3A_127, %add3A_204 : i32
        %dma_start3A_206 = arith.constant 1 : i32
        %dma_start3A_207 = arith.constant 0 : i32
        %dma_start3A_208 = arith.constant 0 : i32
        %dma_start3A_209 = tpu.memref_slice %arg11[%dma_start3A_206, %dma_start3A_207, %dma_start3A_208] : memref<2x128x128xf32, #tpu.memory_space<vmem>> -> memref<1x128x128xf32, #tpu.memory_space<vmem>>
        %dma_start3A_210 = tpu.memref_squeeze %dma_start3A_209 : memref<1x128x128xf32, #tpu.memory_space<vmem>> -> memref<128x128xf32, #tpu.memory_space<vmem>>
        %dma_start3A_211 = arith.constant 0 : i32
        %dma_start3A_212 = tpu.memref_slice %arg9[%add3A_205, %dma_start3A_211] : memref<40x128xi32, #tpu.memory_space<vmem>> -> memref<1x128xi32, #tpu.memory_space<vmem>>
        %dma_start3A_213 = tpu.memref_squeeze %dma_start3A_212 : memref<1x128xi32, #tpu.memory_space<vmem>> -> memref<128xi32, #tpu.memory_space<vmem>>
        %dma_start3A_214 = arith.constant 0 : i32
        %dma_start3A_215 = arith.constant 0 : i32
        %dma_start3A_216 = tpu.memref_slice %arg2[%dma_start3A_214, %dma_start3A_215] : memref<10000x128xf32, #tpu.memory_space<hbm>> -> memref<10000x128xf32, #tpu.memory_space<hbm>>
        tpu.enqueue_indirect_dma source(%dma_start3A_216 : memref<10000x128xf32, #tpu.memory_space<hbm>>) target(%dma_start3A_210 : memref<128x128xf32, #tpu.memory_space<vmem>>) offsets(%dma_start3A_213 : memref<128xi32, #tpu.memory_space<vmem>>) semaphore(%arg15 : memref<!tpu.dma_semaphore, #tpu.memory_space<semaphore_mem>>)
      } else {
      }
      %dma_wait3A_136 = arith.constant 0 : i32
      %dma_wait3A_137 = arith.constant 0 : i32
      %dma_wait3A_138 = arith.constant 0 : i32
      %dma_wait3A_139 = tpu.memref_slice %arg11[%dma_wait3A_136, %dma_wait3A_137, %dma_wait3A_138] : memref<2x128x128xf32, #tpu.memory_space<vmem>> -> memref<1x128x128xf32, #tpu.memory_space<vmem>>
      %dma_wait3A_140 = tpu.memref_squeeze %dma_wait3A_139 : memref<1x128x128xf32, #tpu.memory_space<vmem>> -> memref<128x128xf32, #tpu.memory_space<vmem>>
      %dma_wait3A_141 = arith.constant 0 : i32
      %dma_wait3A_142 = tpu.memref_slice %arg9[%add3A_127, %dma_wait3A_141] : memref<40x128xi32, #tpu.memory_space<vmem>> -> memref<1x128xi32, #tpu.memory_space<vmem>>
      %dma_wait3A_143 = tpu.memref_squeeze %dma_wait3A_142 : memref<1x128xi32, #tpu.memory_space<vmem>> -> memref<128xi32, #tpu.memory_space<vmem>>
      %dma_wait3A_144 = arith.constant 0 : i32
      %dma_wait3A_145 = arith.constant 0 : i32
      %dma_wait3A_146 = tpu.memref_slice %arg2[%dma_wait3A_144, %dma_wait3A_145] : memref<10000x128xf32, #tpu.memory_space<hbm>> -> memref<10000x128xf32, #tpu.memory_space<hbm>>
      tpu.wait_indirect_dma semaphore(%arg15 : memref<!tpu.dma_semaphore, #tpu.memory_space<semaphore_mem>>) src(%dma_wait3A_146 : memref<10000x128xf32, #tpu.memory_space<hbm>>) dst(%dma_wait3A_140 : memref<128x128xf32, #tpu.memory_space<vmem>>)
      %dma_start3A_147 = arith.constant 0 : i32
      %dma_start3A_148 = arith.constant 0 : i32
      %dma_start3A_149 = arith.constant 0 : i32
      %dma_start3A_150 = tpu.memref_slice %arg11[%dma_start3A_147, %dma_start3A_148, %dma_start3A_149] : memref<2x128x128xf32, #tpu.memory_space<vmem>> -> memref<1x128x128xf32, #tpu.memory_space<vmem>>
      %dma_start3A_151 = tpu.memref_squeeze %dma_start3A_150 : memref<1x128x128xf32, #tpu.memory_space<vmem>> -> memref<128x128xf32, #tpu.memory_space<vmem>>
      %dma_start3A_152 = arith.constant 0 : i32
      %dma_start3A_153 = tpu.memref_slice %arg10[%add3A_127, %dma_start3A_152] : memref<40x128xi32, #tpu.memory_space<vmem>> -> memref<1x128xi32, #tpu.memory_space<vmem>>
      %dma_start3A_154 = tpu.memref_squeeze %dma_start3A_153 : memref<1x128xi32, #tpu.memory_space<vmem>> -> memref<128xi32, #tpu.memory_space<vmem>>
      %dma_start3A_155 = arith.constant 0 : i32
      %dma_start3A_156 = arith.constant 0 : i32
      %dma_start3A_157 = tpu.memref_slice %arg13[%dma_start3A_155, %dma_start3A_156] : memref<10240x128xf32, #tpu.memory_space<vmem_shared>> -> memref<10240x128xf32, #tpu.memory_space<vmem_shared>>
      tpu.enqueue_indirect_dma source(%dma_start3A_151 : memref<128x128xf32, #tpu.memory_space<vmem>>) target(%dma_start3A_157 : memref<10240x128xf32, #tpu.memory_space<vmem_shared>>) offsets(%dma_start3A_154 : memref<128xi32, #tpu.memory_space<vmem>>) semaphore(%arg16 : memref<!tpu.dma_semaphore, #tpu.memory_space<semaphore_mem>>) {add = true}
      %dma_start3A_158 = arith.constant 0 : i32
      %dma_start3A_159 = tpu.memref_slice %arg10[%add3A_127, %dma_start3A_158] : memref<40x128xi32, #tpu.memory_space<vmem>> -> memref<1x128xi32, #tpu.memory_space<vmem>>
      %dma_start3A_160 = tpu.memref_squeeze %dma_start3A_159 : memref<1x128xi32, #tpu.memory_space<vmem>> -> memref<128xi32, #tpu.memory_space<vmem>>
      %dma_start3A_161 = arith.constant 0 : i32
      %dma_start3A_162 = tpu.memref_slice %arg14[%dma_start3A_161] : memref<10240xf32, #tpu.memory_space<vmem_shared>> -> memref<10240xf32, #tpu.memory_space<vmem_shared>>
      tpu.enqueue_indirect_dma source(%arg12 : memref<128xf32, #tpu.memory_space<vmem>>) target(%dma_start3A_162 : memref<10240xf32, #tpu.memory_space<vmem_shared>>) offsets(%dma_start3A_160 : memref<128xi32, #tpu.memory_space<vmem>>) semaphore(%arg17 : memref<!tpu.dma_semaphore, #tpu.memory_space<semaphore_mem>>) {add = true}
      %add3A_163 = arith.constant 1 : i32
      %add3A_164 = arith.addi %mul3A_125, %add3A_163 : i32
      %ge3A_165 = arith.constant 1 : i32
      %ge3A_166 = arith.cmpi sge, %add3A_164, %ge3A_165 : i32
      %convert_element_type3A_167 = arith.extui %ge3A_166 : i1 to i32
      %cond3A_168 = arith.constant 0 : i32
      %cond3A_169 = arith.cmpi ne, %convert_element_type3A_167, %cond3A_168 : i32
      scf.if %cond3A_169 {
        %dma_wait3A_204 = arith.constant 0 : i32
        %dma_wait3A_205 = arith.constant 0 : i32
        %dma_wait3A_206 = arith.constant 0 : i32
        %dma_wait3A_207 = arith.constant 0 : i32
        %dma_wait3A_208 = tpu.memref_slice %arg11[%dma_wait3A_204, %dma_wait3A_206, %dma_wait3A_207] : memref<2x128x128xf32, #tpu.memory_space<vmem>> -> memref<1x128x128xf32, #tpu.memory_space<vmem>>
        %dma_wait3A_209 = tpu.memref_squeeze %dma_wait3A_208 : memref<1x128x128xf32, #tpu.memory_space<vmem>> -> memref<128x128xf32, #tpu.memory_space<vmem>>
        %dma_wait3A_210 = arith.constant 0 : i32
        %dma_wait3A_211 = tpu.memref_slice %arg10[%dma_wait3A_205, %dma_wait3A_210] : memref<40x128xi32, #tpu.memory_space<vmem>> -> memref<1x128xi32, #tpu.memory_space<vmem>>
        %dma_wait3A_212 = tpu.memref_squeeze %dma_wait3A_211 : memref<1x128xi32, #tpu.memory_space<vmem>> -> memref<128xi32, #tpu.memory_space<vmem>>
        %dma_wait3A_213 = arith.constant 0 : i32
        %dma_wait3A_214 = arith.constant 0 : i32
        %dma_wait3A_215 = tpu.memref_slice %arg13[%dma_wait3A_213, %dma_wait3A_214] : memref<10240x128xf32, #tpu.memory_space<vmem_shared>> -> memref<10240x128xf32, #tpu.memory_space<vmem_shared>>
        tpu.wait_indirect_dma semaphore(%arg16 : memref<!tpu.dma_semaphore, #tpu.memory_space<semaphore_mem>>) src(%dma_wait3A_209 : memref<128x128xf32, #tpu.memory_space<vmem>>) dst(%dma_wait3A_215 : memref<10240x128xf32, #tpu.memory_space<vmem_shared>>)
        %dma_wait3A_216 = arith.constant 0 : i32
        %dma_wait3A_217 = arith.constant 0 : i32
        %dma_wait3A_218 = tpu.memref_slice %arg10[%dma_wait3A_216, %dma_wait3A_217] : memref<40x128xi32, #tpu.memory_space<vmem>> -> memref<1x128xi32, #tpu.memory_space<vmem>>
        %dma_wait3A_219 = tpu.memref_squeeze %dma_wait3A_218 : memref<1x128xi32, #tpu.memory_space<vmem>> -> memref<128xi32, #tpu.memory_space<vmem>>
        %dma_wait3A_220 = arith.constant 0 : i32
        %dma_wait3A_221 = tpu.memref_slice %arg14[%dma_wait3A_220] : memref<10240xf32, #tpu.memory_space<vmem_shared>> -> memref<10240xf32, #tpu.memory_space<vmem_shared>>
        tpu.wait_indirect_dma semaphore(%arg17 : memref<!tpu.dma_semaphore, #tpu.memory_space<semaphore_mem>>) src(%arg12 : memref<128xf32, #tpu.memory_space<vmem>>) dst(%dma_wait3A_221 : memref<10240xf32, #tpu.memory_space<vmem_shared>>)
      } else {
      }
      %add3A_170 = arith.constant 1 : i32
      %add3A_171 = arith.addi %add3A_164, %add3A_170 : i32
      %lt3A_172 = arith.constant 40 : i32
      %lt3A_173 = arith.cmpi slt, %add3A_171, %lt3A_172 : i32
      %convert_element_type3A_174 = arith.extui %lt3A_173 : i1 to i32
      %cond3A_175 = arith.constant 0 : i32
      %cond3A_176 = arith.cmpi ne, %convert_element_type3A_174, %cond3A_175 : i32
      scf.if %cond3A_176 {
        %add3A_204 = arith.constant 1 : i32
        %add3A_205 = arith.addi %add3A_164, %add3A_204 : i32
        %dma_start3A_206 = arith.constant 0 : i32
        %dma_start3A_207 = arith.constant 0 : i32
        %dma_start3A_208 = arith.constant 0 : i32
        %dma_start3A_209 = tpu.memref_slice %arg11[%dma_start3A_206, %dma_start3A_207, %dma_start3A_208] : memref<2x128x128xf32, #tpu.memory_space<vmem>> -> memref<1x128x128xf32, #tpu.memory_space<vmem>>
        %dma_start3A_210 = tpu.memref_squeeze %dma_start3A_209 : memref<1x128x128xf32, #tpu.memory_space<vmem>> -> memref<128x128xf32, #tpu.memory_space<vmem>>
        %dma_start3A_211 = arith.constant 0 : i32
        %dma_start3A_212 = tpu.memref_slice %arg9[%add3A_205, %dma_start3A_211] : memref<40x128xi32, #tpu.memory_space<vmem>> -> memref<1x128xi32, #tpu.memory_space<vmem>>
        %dma_start3A_213 = tpu.memref_squeeze %dma_start3A_212 : memref<1x128xi32, #tpu.memory_space<vmem>> -> memref<128xi32, #tpu.memory_space<vmem>>
        %dma_start3A_214 = arith.constant 0 : i32
        %dma_start3A_215 = arith.constant 0 : i32
        %dma_start3A_216 = tpu.memref_slice %arg2[%dma_start3A_214, %dma_start3A_215] : memref<10000x128xf32, #tpu.memory_space<hbm>> -> memref<10000x128xf32, #tpu.memory_space<hbm>>
        tpu.enqueue_indirect_dma source(%dma_start3A_216 : memref<10000x128xf32, #tpu.memory_space<hbm>>) target(%dma_start3A_210 : memref<128x128xf32, #tpu.memory_space<vmem>>) offsets(%dma_start3A_213 : memref<128xi32, #tpu.memory_space<vmem>>) semaphore(%arg15 : memref<!tpu.dma_semaphore, #tpu.memory_space<semaphore_mem>>)
      } else {
      }
      %dma_wait3A_177 = arith.constant 1 : i32
      %dma_wait3A_178 = arith.constant 0 : i32
      %dma_wait3A_179 = arith.constant 0 : i32
      %dma_wait3A_180 = tpu.memref_slice %arg11[%dma_wait3A_177, %dma_wait3A_178, %dma_wait3A_179] : memref<2x128x128xf32, #tpu.memory_space<vmem>> -> memref<1x128x128xf32, #tpu.memory_space<vmem>>
      %dma_wait3A_181 = tpu.memref_squeeze %dma_wait3A_180 : memref<1x128x128xf32, #tpu.memory_space<vmem>> -> memref<128x128xf32, #tpu.memory_space<vmem>>
      %dma_wait3A_182 = arith.constant 0 : i32
      %dma_wait3A_183 = tpu.memref_slice %arg9[%add3A_164, %dma_wait3A_182] : memref<40x128xi32, #tpu.memory_space<vmem>> -> memref<1x128xi32, #tpu.memory_space<vmem>>
      %dma_wait3A_184 = tpu.memref_squeeze %dma_wait3A_183 : memref<1x128xi32, #tpu.memory_space<vmem>> -> memref<128xi32, #tpu.memory_space<vmem>>
      %dma_wait3A_185 = arith.constant 0 : i32
      %dma_wait3A_186 = arith.constant 0 : i32
      %dma_wait3A_187 = tpu.memref_slice %arg2[%dma_wait3A_185, %dma_wait3A_186] : memref<10000x128xf32, #tpu.memory_space<hbm>> -> memref<10000x128xf32, #tpu.memory_space<hbm>>
      tpu.wait_indirect_dma semaphore(%arg15 : memref<!tpu.dma_semaphore, #tpu.memory_space<semaphore_mem>>) src(%dma_wait3A_187 : memref<10000x128xf32, #tpu.memory_space<hbm>>) dst(%dma_wait3A_181 : memref<128x128xf32, #tpu.memory_space<vmem>>)
      %dma_start3A_188 = arith.constant 1 : i32
      %dma_start3A_189 = arith.constant 0 : i32
      %dma_start3A_190 = arith.constant 0 : i32
      %dma_start3A_191 = tpu.memref_slice %arg11[%dma_start3A_188, %dma_start3A_189, %dma_start3A_190] : memref<2x128x128xf32, #tpu.memory_space<vmem>> -> memref<1x128x128xf32, #tpu.memory_space<vmem>>
      %dma_start3A_192 = tpu.memref_squeeze %dma_start3A_191 : memref<1x128x128xf32, #tpu.memory_space<vmem>> -> memref<128x128xf32, #tpu.memory_space<vmem>>
      %dma_start3A_193 = arith.constant 0 : i32
      %dma_start3A_194 = tpu.memref_slice %arg10[%add3A_164, %dma_start3A_193] : memref<40x128xi32, #tpu.memory_space<vmem>> -> memref<1x128xi32, #tpu.memory_space<vmem>>
      %dma_start3A_195 = tpu.memref_squeeze %dma_start3A_194 : memref<1x128xi32, #tpu.memory_space<vmem>> -> memref<128xi32, #tpu.memory_space<vmem>>
      %dma_start3A_196 = arith.constant 0 : i32
      %dma_start3A_197 = arith.constant 0 : i32
      %dma_start3A_198 = tpu.memref_slice %arg13[%dma_start3A_196, %dma_start3A_197] : memref<10240x128xf32, #tpu.memory_space<vmem_shared>> -> memref<10240x128xf32, #tpu.memory_space<vmem_shared>>
      tpu.enqueue_indirect_dma source(%dma_start3A_192 : memref<128x128xf32, #tpu.memory_space<vmem>>) target(%dma_start3A_198 : memref<10240x128xf32, #tpu.memory_space<vmem_shared>>) offsets(%dma_start3A_195 : memref<128xi32, #tpu.memory_space<vmem>>) semaphore(%arg16 : memref<!tpu.dma_semaphore, #tpu.memory_space<semaphore_mem>>) {add = true}
      %dma_start3A_199 = arith.constant 0 : i32
      %dma_start3A_200 = tpu.memref_slice %arg10[%add3A_164, %dma_start3A_199] : memref<40x128xi32, #tpu.memory_space<vmem>> -> memref<1x128xi32, #tpu.memory_space<vmem>>
      %dma_start3A_201 = tpu.memref_squeeze %dma_start3A_200 : memref<1x128xi32, #tpu.memory_space<vmem>> -> memref<128xi32, #tpu.memory_space<vmem>>
      %dma_start3A_202 = arith.constant 0 : i32
      %dma_start3A_203 = tpu.memref_slice %arg14[%dma_start3A_202] : memref<10240xf32, #tpu.memory_space<vmem_shared>> -> memref<10240xf32, #tpu.memory_space<vmem_shared>>
      tpu.enqueue_indirect_dma source(%arg12 : memref<128xf32, #tpu.memory_space<vmem>>) target(%dma_start3A_203 : memref<10240xf32, #tpu.memory_space<vmem_shared>>) offsets(%dma_start3A_201 : memref<128xi32, #tpu.memory_space<vmem>>) semaphore(%arg17 : memref<!tpu.dma_semaphore, #tpu.memory_space<semaphore_mem>>) {add = true}
    }
    %scan3A_101 = arith.constant 20 : i32
    %dma_wait3A_102 = arith.constant 0 : i32
    %dma_wait3A_103 = arith.constant 0 : i32
    %dma_wait3A_104 = arith.constant 0 : i32
    %dma_wait3A_105 = arith.constant 0 : i32
    %dma_wait3A_106 = tpu.memref_slice %arg11[%dma_wait3A_102, %dma_wait3A_104, %dma_wait3A_105] : memref<2x128x128xf32, #tpu.memory_space<vmem>> -> memref<1x128x128xf32, #tpu.memory_space<vmem>>
    %dma_wait3A_107 = tpu.memref_squeeze %dma_wait3A_106 : memref<1x128x128xf32, #tpu.memory_space<vmem>> -> memref<128x128xf32, #tpu.memory_space<vmem>>
    %dma_wait3A_108 = arith.constant 0 : i32
    %dma_wait3A_109 = tpu.memref_slice %arg10[%dma_wait3A_103, %dma_wait3A_108] : memref<40x128xi32, #tpu.memory_space<vmem>> -> memref<1x128xi32, #tpu.memory_space<vmem>>
    %dma_wait3A_110 = tpu.memref_squeeze %dma_wait3A_109 : memref<1x128xi32, #tpu.memory_space<vmem>> -> memref<128xi32, #tpu.memory_space<vmem>>
    %dma_wait3A_111 = arith.constant 0 : i32
    %dma_wait3A_112 = arith.constant 0 : i32
    %dma_wait3A_113 = tpu.memref_slice %arg13[%dma_wait3A_111, %dma_wait3A_112] : memref<10240x128xf32, #tpu.memory_space<vmem_shared>> -> memref<10240x128xf32, #tpu.memory_space<vmem_shared>>
    tpu.wait_indirect_dma semaphore(%arg16 : memref<!tpu.dma_semaphore, #tpu.memory_space<semaphore_mem>>) src(%dma_wait3A_107 : memref<128x128xf32, #tpu.memory_space<vmem>>) dst(%dma_wait3A_113 : memref<10240x128xf32, #tpu.memory_space<vmem_shared>>)
    %dma_wait3A_114 = arith.constant 0 : i32
    %dma_wait3A_115 = arith.constant 0 : i32
    %dma_wait3A_116 = tpu.memref_slice %arg10[%dma_wait3A_114, %dma_wait3A_115] : memref<40x128xi32, #tpu.memory_space<vmem>> -> memref<1x128xi32, #tpu.memory_space<vmem>>
    %dma_wait3A_117 = tpu.memref_squeeze %dma_wait3A_116 : memref<1x128xi32, #tpu.memory_space<vmem>> -> memref<128xi32, #tpu.memory_space<vmem>>
    %dma_wait3A_118 = arith.constant 0 : i32
    %dma_wait3A_119 = tpu.memref_slice %arg14[%dma_wait3A_118] : memref<10240xf32, #tpu.memory_space<vmem_shared>> -> memref<10240xf32, #tpu.memory_space<vmem_shared>>
    tpu.wait_indirect_dma semaphore(%arg17 : memref<!tpu.dma_semaphore, #tpu.memory_space<semaphore_mem>>) src(%arg12 : memref<128xf32, #tpu.memory_space<vmem>>) dst(%dma_wait3A_119 : memref<10240xf32, #tpu.memory_space<vmem_shared>>)
    %barrier3A_120 = arith.constant 0 : index
    tpu.barrier barrier_id(%barrier3A_120)
    %mul3A_121 = arith.constant 640 : i32
    %mul3A_122 = arith.muli %arg1, %mul3A_121 : i32
    "tpu.region"() ({
      %run_scoped3A = tpu.sem_alloc : memref<!tpu.dma_semaphore, #tpu.memory_space<semaphore_mem>>
      %dma_start3A_123 = arith.constant 0 : i32
      %dma_start3A_124 = tpu.memref_slice %arg7[%arg0, %mul3A_122, %dma_start3A_123] : memref<2x10240x128xf32, #tpu.memory_space<hbm>> -> memref<1x640x128xf32, #tpu.memory_space<hbm>>
      %dma_start3A_125 = tpu.memref_squeeze %dma_start3A_124 : memref<1x640x128xf32, #tpu.memory_space<hbm>> -> memref<640x128xf32, #tpu.memory_space<hbm>>
      %dma_start3A_126 = arith.constant 0 : i32
      %dma_start3A_127 = tpu.memref_slice %arg13[%mul3A_122, %dma_start3A_126] : memref<10240x128xf32, #tpu.memory_space<vmem_shared>> -> memref<640x128xf32, #tpu.memory_space<vmem_shared>>
      tpu.enqueue_dma source(%dma_start3A_127 : memref<640x128xf32, #tpu.memory_space<vmem_shared>>) target(%dma_start3A_125 : memref<640x128xf32, #tpu.memory_space<hbm>>) target_semaphore(%run_scoped3A : memref<!tpu.dma_semaphore, #tpu.memory_space<semaphore_mem>>)
      %dma_wait3A_128 = arith.constant 0 : i32
      %dma_wait3A_129 = tpu.memref_slice %arg7[%arg0, %mul3A_122, %dma_wait3A_128] : memref<2x10240x128xf32, #tpu.memory_space<hbm>> -> memref<1x640x128xf32, #tpu.memory_space<hbm>>
      %dma_wait3A_130 = tpu.memref_squeeze %dma_wait3A_129 : memref<1x640x128xf32, #tpu.memory_space<hbm>> -> memref<640x128xf32, #tpu.memory_space<hbm>>
      %dma_wait3A_131 = arith.constant 0 : i32
      %dma_wait3A_132 = tpu.memref_slice %arg13[%mul3A_122, %dma_wait3A_131] : memref<10240x128xf32, #tpu.memory_space<vmem_shared>> -> memref<640x128xf32, #tpu.memory_space<vmem_shared>>
      tpu.wait_dma2 semaphore(%run_scoped3A : memref<!tpu.dma_semaphore, #tpu.memory_space<semaphore_mem>>) src(%dma_wait3A_132 : memref<640x128xf32, #tpu.memory_space<vmem_shared>>) dst(%dma_wait3A_130 : memref<640x128xf32, #tpu.memory_space<hbm>>)
      tpu.yield
    }) : () -> ()
    "tpu.region"() ({
      %run_scoped3A = tpu.sem_alloc : memref<!tpu.dma_semaphore, #tpu.memory_space<semaphore_mem>>
      %dma_start3A_123 = tpu.memref_slice %arg8[%arg0, %mul3A_122] : memref<2x10240xf32, #tpu.memory_space<hbm>> -> memref<1x640xf32, #tpu.memory_space<hbm>>
      %dma_start3A_124 = tpu.memref_squeeze %dma_start3A_123 : memref<1x640xf32, #tpu.memory_space<hbm>> -> memref<640xf32, #tpu.memory_space<hbm>>
      %dma_start3A_125 = tpu.memref_slice %arg14[%mul3A_122] : memref<10240xf32, #tpu.memory_space<vmem_shared>> -> memref<640xf32, #tpu.memory_space<vmem_shared>>
      tpu.enqueue_dma source(%dma_start3A_125 : memref<640xf32, #tpu.memory_space<vmem_shared>>) target(%dma_start3A_124 : memref<640xf32, #tpu.memory_space<hbm>>) target_semaphore(%run_scoped3A : memref<!tpu.dma_semaphore, #tpu.memory_space<semaphore_mem>>)
      %dma_wait3A_126 = tpu.memref_slice %arg8[%arg0, %mul3A_122] : memref<2x10240xf32, #tpu.memory_space<hbm>> -> memref<1x640xf32, #tpu.memory_space<hbm>>
      %dma_wait3A_127 = tpu.memref_squeeze %dma_wait3A_126 : memref<1x640xf32, #tpu.memory_space<hbm>> -> memref<640xf32, #tpu.memory_space<hbm>>
      %dma_wait3A_128 = tpu.memref_slice %arg14[%mul3A_122] : memref<10240xf32, #tpu.memory_space<vmem_shared>> -> memref<640xf32, #tpu.memory_space<vmem_shared>>
      tpu.wait_dma2 semaphore(%run_scoped3A : memref<!tpu.dma_semaphore, #tpu.memory_space<semaphore_mem>>) src(%dma_wait3A_128 : memref<640xf32, #tpu.memory_space<vmem_shared>>) dst(%dma_wait3A_127 : memref<640xf32, #tpu.memory_space<hbm>>)
      tpu.yield
    }) : () -> ()
    return
  }
}

module attributes {stable_mosaic.version = 14 : i64} {
  func.func @_dense_body(%arg0: i32, %arg1: memref<1000x128xf32, #tpu.memory_space<vmem>>, %arg2: memref<1000x128xf32, #tpu.memory_space<vmem>>, %arg3: memref<1000x128xf32, #tpu.memory_space<vmem>>, %arg4: memref<1x1000x128xf32, #tpu.memory_space<vmem>>, %arg5: memref<1x1000x128xf32, #tpu.memory_space<vmem>>, %arg6: memref<1000x2xf32, #tpu.memory_space<vmem>>, %arg7: memref<128x512xf32, #tpu.memory_space<vmem>>, %arg8: memref<128x512xf32, #tpu.memory_space<vmem>>, %arg9: memref<128x512xf32, #tpu.memory_space<vmem>>, %arg10: memref<1x512xf32, #tpu.memory_space<vmem>>, %arg11: memref<1000x128xf32, #tpu.memory_space<vmem>>, %arg12: memref<1000x128xf32, #tpu.memory_space<vmem>>) attributes {dimension_semantics = [#tpu.dimension_semantics<arbitrary>], iteration_bounds = array<i64: 10>, scalar_prefetch = 0 : i64, scratch_operands = 0 : i64, tpu.core_type = #tpu.core_type<tc>, window_params = [{transform_indices = @transform_0, window_bounds = array<i64: 1000, 128>}, {transform_indices = @transform_1, window_bounds = array<i64: 1000, 128>}, {transform_indices = @transform_2, window_bounds = array<i64: 1000, 128>}, {transform_indices = @transform_3, window_bounds = array<i64: 1, 1000, 128>}, {transform_indices = @transform_4, window_bounds = array<i64: 1, 1000, 128>}, {transform_indices = @transform_5, window_bounds = array<i64: 1000, 2>}, {pipeline_mode = #tpu.pipeline_mode<synchronous>, transform_indices = @transform_6, window_bounds = array<i64: 128, 512>}, {pipeline_mode = #tpu.pipeline_mode<synchronous>, transform_indices = @transform_7, window_bounds = array<i64: 128, 512>}, {pipeline_mode = #tpu.pipeline_mode<synchronous>, transform_indices = @transform_8, window_bounds = array<i64: 128, 512>}, {pipeline_mode = #tpu.pipeline_mode<synchronous>, transform_indices = @transform_9, window_bounds = array<i64: 1, 512>}, {transform_indices = @transform_10, window_bounds = array<i64: 1000, 128>}, {transform_indices = @transform_11, window_bounds = array<i64: 1000, 128>}]} {
    %get3A = arith.constant 0 : index
    %get3A_0 = arith.constant 0 : index
    %get3A_1 = vector.load %arg6[%get3A, %get3A_0] : memref<1000x2xf32, #tpu.memory_space<vmem>>, vector<1000x1xf32>
    %get3A_2 = arith.constant 0 : index
    %get3A_3 = arith.constant 1 : index
    %get3A_4 = vector.load %arg6[%get3A_2, %get3A_3] : memref<1000x2xf32, #tpu.memory_space<vmem>>, vector<1000x1xf32>
    %add3A = arith.addf %get3A_1, %get3A_4 : vector<1000x1xf32>
    %max3A = arith.constant 1.000000e+00 : f32
    %max3A_5 = vector.broadcast %max3A : f32 to vector<1000x1xf32>
    %max3A_6 = arith.maximumf %add3A, %max3A_5 : vector<1000x1xf32>
    %div3A = arith.constant 1.000000e+00 : f32
    %div3A_7 = vector.broadcast %div3A : f32 to vector<1000x1xf32>
    %div3A_8 = arith.divf %div3A_7, %max3A_6 : vector<1000x1xf32>
    %get3A_9 = arith.constant 0 : index
    %get3A_10 = arith.constant 0 : index
    %get3A_11 = arith.constant 0 : index
    %get3A_12 = vector.load %arg4[%get3A_9, %get3A_10, %get3A_11] : memref<1x1000x128xf32, #tpu.memory_space<vmem>>, vector<1x1000x128xf32>
    %get3A_13 = vector.shape_cast %get3A_12 : vector<1x1000x128xf32> to vector<1000x128xf32>
    %get3A_14 = arith.constant 0 : index
    %get3A_15 = arith.constant 0 : index
    %get3A_16 = arith.constant 0 : index
    %get3A_17 = vector.load %arg5[%get3A_14, %get3A_15, %get3A_16] : memref<1x1000x128xf32, #tpu.memory_space<vmem>>, vector<1x1000x128xf32>
    %get3A_18 = vector.shape_cast %get3A_17 : vector<1x1000x128xf32> to vector<1000x128xf32>
    %add3A_19 = arith.addf %get3A_13, %get3A_18 : vector<1000x128xf32>
    %mul3A = vector.broadcast %div3A_8 : vector<1000x1xf32> to vector<1000x128xf32>
    %mul3A_20 = arith.mulf %add3A_19, %mul3A : vector<1000x128xf32>
    %get3A_21 = arith.constant 0 : index
    %get3A_22 = arith.constant 0 : index
    %get3A_23 = vector.load %arg1[%get3A_21, %get3A_22] : memref<1000x128xf32, #tpu.memory_space<vmem>>, vector<1000x128xf32>
    %get3A_24 = arith.constant 0 : index
    %get3A_25 = arith.constant 0 : index
    %get3A_26 = vector.load %arg7[%get3A_24, %get3A_25] : memref<128x512xf32, #tpu.memory_space<vmem>>, vector<128x512xf32>
    %dot_general3A = arith.constant dense<0.000000e+00> : vector<1000x512xf32>
    %dot_general3A_27 = tpu.matmul %get3A_23, %get3A_26, %dot_general3A {dimension_numbers = #tpu.dot_dimension_numbers<[1], [0], [0], [1], [0, 0, 1, 1], [], []>, transpose_lhs_hint = false} : vector<1000x128xf32>, vector<128x512xf32>, vector<1000x512xf32> -> vector<1000x512xf32>
    %get3A_28 = arith.constant 0 : index
    %get3A_29 = arith.constant 0 : index
    %get3A_30 = vector.load %arg8[%get3A_28, %get3A_29] : memref<128x512xf32, #tpu.memory_space<vmem>>, vector<128x512xf32>
    %dot_general3A_31 = arith.constant dense<0.000000e+00> : vector<1000x512xf32>
    %dot_general3A_32 = tpu.matmul %mul3A_20, %get3A_30, %dot_general3A_31 {dimension_numbers = #tpu.dot_dimension_numbers<[1], [0], [0], [1], [0, 0, 1, 1], [], []>, transpose_lhs_hint = false} : vector<1000x128xf32>, vector<128x512xf32>, vector<1000x512xf32> -> vector<1000x512xf32>
    %add3A_33 = arith.addf %dot_general3A_27, %dot_general3A_32 : vector<1000x512xf32>
    %get3A_34 = arith.constant 0 : index
    %get3A_35 = arith.constant 0 : index
    %get3A_36 = vector.load %arg2[%get3A_34, %get3A_35] : memref<1000x128xf32, #tpu.memory_space<vmem>>, vector<1000x128xf32>
    %get3A_37 = arith.constant 0 : index
    %get3A_38 = arith.constant 0 : index
    %get3A_39 = vector.load %arg9[%get3A_37, %get3A_38] : memref<128x512xf32, #tpu.memory_space<vmem>>, vector<128x512xf32>
    %dot_general3A_40 = arith.constant dense<0.000000e+00> : vector<1000x512xf32>
    %dot_general3A_41 = tpu.matmul %get3A_36, %get3A_39, %dot_general3A_40 {dimension_numbers = #tpu.dot_dimension_numbers<[1], [0], [0], [1], [0, 0, 1, 1], [], []>, transpose_lhs_hint = false} : vector<1000x128xf32>, vector<128x512xf32>, vector<1000x512xf32> -> vector<1000x512xf32>
    %add3A_42 = arith.addf %add3A_33, %dot_general3A_41 : vector<1000x512xf32>
    %get3A_43 = arith.constant 0 : index
    %get3A_44 = arith.constant 0 : index
    %get3A_45 = vector.load %arg10[%get3A_43, %get3A_44] : memref<1x512xf32, #tpu.memory_space<vmem>>, vector<1x512xf32>
    %add3A_46 = vector.broadcast %get3A_45 : vector<1x512xf32> to vector<1000x512xf32>
    %add3A_47 = arith.addf %add3A_42, %add3A_46 : vector<1000x512xf32>
    %slice3A = vector.extract_strided_slice %add3A_47 {offsets = [0, 0], sizes = [1000, 128], strides = [1, 1]} : vector<1000x512xf32> to vector<1000x128xf32>
    %logistic3A = arith.negf %slice3A : vector<1000x128xf32>
    %logistic3A_48 = math.exp %logistic3A : vector<1000x128xf32>
    %logistic3A_49 = arith.constant 1.000000e+00 : f32
    %logistic3A_50 = vector.broadcast %logistic3A_49 : f32 to vector<1000x128xf32>
    %logistic3A_51 = arith.addf %logistic3A_50, %logistic3A_48 : vector<1000x128xf32>
    %logistic3A_52 = arith.divf %logistic3A_50, %logistic3A_51 : vector<1000x128xf32>
    %slice3A_53 = vector.extract_strided_slice %add3A_47 {offsets = [0, 128], sizes = [1000, 128], strides = [1, 1]} : vector<1000x512xf32> to vector<1000x128xf32>
    %logistic3A_54 = arith.negf %slice3A_53 : vector<1000x128xf32>
    %logistic3A_55 = math.exp %logistic3A_54 : vector<1000x128xf32>
    %logistic3A_56 = arith.constant 1.000000e+00 : f32
    %logistic3A_57 = vector.broadcast %logistic3A_56 : f32 to vector<1000x128xf32>
    %logistic3A_58 = arith.addf %logistic3A_57, %logistic3A_55 : vector<1000x128xf32>
    %logistic3A_59 = arith.divf %logistic3A_57, %logistic3A_58 : vector<1000x128xf32>
    %slice3A_60 = vector.extract_strided_slice %add3A_47 {offsets = [0, 256], sizes = [1000, 128], strides = [1, 1]} : vector<1000x512xf32> to vector<1000x128xf32>
    %tanh3A = math.tanh %slice3A_60 : vector<1000x128xf32>
    %slice3A_61 = vector.extract_strided_slice %add3A_47 {offsets = [0, 384], sizes = [1000, 128], strides = [1, 1]} : vector<1000x512xf32> to vector<1000x128xf32>
    %logistic3A_62 = arith.negf %slice3A_61 : vector<1000x128xf32>
    %logistic3A_63 = math.exp %logistic3A_62 : vector<1000x128xf32>
    %logistic3A_64 = arith.constant 1.000000e+00 : f32
    %logistic3A_65 = vector.broadcast %logistic3A_64 : f32 to vector<1000x128xf32>
    %logistic3A_66 = arith.addf %logistic3A_65, %logistic3A_63 : vector<1000x128xf32>
    %logistic3A_67 = arith.divf %logistic3A_65, %logistic3A_66 : vector<1000x128xf32>
    %get3A_68 = arith.constant 0 : index
    %get3A_69 = arith.constant 0 : index
    %get3A_70 = vector.load %arg3[%get3A_68, %get3A_69] : memref<1000x128xf32, #tpu.memory_space<vmem>>, vector<1000x128xf32>
    %mul3A_71 = arith.mulf %logistic3A_59, %get3A_70 : vector<1000x128xf32>
    %mul3A_72 = arith.mulf %logistic3A_52, %tanh3A : vector<1000x128xf32>
    %add3A_73 = arith.addf %mul3A_71, %mul3A_72 : vector<1000x128xf32>
    %tanh3A_74 = math.tanh %add3A_73 : vector<1000x128xf32>
    %mul3A_75 = arith.mulf %logistic3A_67, %tanh3A_74 : vector<1000x128xf32>
    %swap3A = arith.constant 0 : index
    %swap3A_76 = arith.constant 0 : index
    %swap3A_77 = vector.load %arg11[%swap3A, %swap3A_76] : memref<1000x128xf32, #tpu.memory_space<vmem>>, vector<1000x128xf32>
    tpu.vector_store %arg11[%swap3A, %swap3A_76], %mul3A_75 {strides = array<i32>} : memref<1000x128xf32, #tpu.memory_space<vmem>>, vector<1000x128xf32>,
    %swap3A_78 = arith.constant 0 : index
    %swap3A_79 = arith.constant 0 : index
    %swap3A_80 = vector.load %arg12[%swap3A_78, %swap3A_79] : memref<1000x128xf32, #tpu.memory_space<vmem>>, vector<1000x128xf32>
    tpu.vector_store %arg12[%swap3A_78, %swap3A_79], %add3A_73 {strides = array<i32>} : memref<1000x128xf32, #tpu.memory_space<vmem>>, vector<1000x128xf32>,
    return
  }
  func.func @transform_0(%arg0: i32) -> (i32, i32) {
    %c0_i32 = arith.constant 0 : i32
    %c0_i32_0 = arith.constant 0 : i32
    return %arg0, %c0_i32 : i32, i32
  }
  func.func @transform_1(%arg0: i32) -> (i32, i32) {
    %c0_i32 = arith.constant 0 : i32
    %c0_i32_0 = arith.constant 0 : i32
    return %arg0, %c0_i32 : i32, i32
  }
  func.func @transform_2(%arg0: i32) -> (i32, i32) {
    %c0_i32 = arith.constant 0 : i32
    %c0_i32_0 = arith.constant 0 : i32
    return %arg0, %c0_i32 : i32, i32
  }
  func.func @transform_3(%arg0: i32) -> (i32, i32, i32) {
    %c0_i32 = arith.constant 0 : i32
    %c0_i32_0 = arith.constant 0 : i32
    %c0_i32_1 = arith.constant 0 : i32
    return %c0_i32, %arg0, %c0_i32_0 : i32, i32, i32
  }
  func.func @transform_4(%arg0: i32) -> (i32, i32, i32) {
    %c1_i32 = arith.constant 1 : i32
    %c0_i32 = arith.constant 0 : i32
    %c0_i32_0 = arith.constant 0 : i32
    return %c1_i32, %arg0, %c0_i32 : i32, i32, i32
  }
  func.func @transform_5(%arg0: i32) -> (i32, i32) {
    %c0_i32 = arith.constant 0 : i32
    %c0_i32_0 = arith.constant 0 : i32
    return %arg0, %c0_i32 : i32, i32
  }
  func.func @transform_6(%arg0: i32) -> (i32, i32) {
    %c0_i32 = arith.constant 0 : i32
    %c0_i32_0 = arith.constant 0 : i32
    %c0_i32_1 = arith.constant 0 : i32
    return %c0_i32, %c0_i32_0 : i32, i32
  }
  func.func @transform_7(%arg0: i32) -> (i32, i32) {
    %c0_i32 = arith.constant 0 : i32
    %c0_i32_0 = arith.constant 0 : i32
    %c0_i32_1 = arith.constant 0 : i32
    return %c0_i32, %c0_i32_0 : i32, i32
  }
  func.func @transform_8(%arg0: i32) -> (i32, i32) {
    %c0_i32 = arith.constant 0 : i32
    %c0_i32_0 = arith.constant 0 : i32
    %c0_i32_1 = arith.constant 0 : i32
    return %c0_i32, %c0_i32_0 : i32, i32
  }
  func.func @transform_9(%arg0: i32) -> (i32, i32) {
    %c0_i32 = arith.constant 0 : i32
    %c0_i32_0 = arith.constant 0 : i32
    %c0_i32_1 = arith.constant 0 : i32
    return %c0_i32, %c0_i32_0 : i32, i32
  }
  func.func @transform_10(%arg0: i32) -> (i32, i32) {
    %c0_i32 = arith.constant 0 : i32
    %c0_i32_0 = arith.constant 0 : i32
    return %arg0, %c0_i32 : i32, i32
  }
  func.func @transform_11(%arg0: i32) -> (i32, i32) {
    %c0_i32 = arith.constant 0 : i32
    %c0_i32_0 = arith.constant 0 : i32
    return %arg0, %c0_i32 : i32, i32
  }
}

</mosaic_0001>

<sc_bundles>
// kernel: kernel.4.cloned.1.call-start
scs
__scs_entry_jumppad:
0x0: {  	(pc) =	sbr.rel $0x88, $3  }
0x1: {  	(tag) =	ssettag $0x0;
	lr =	simm.s32 $0x1  }
0x2: {  	[smem:$0x3F89] =	sst lr;
	_ =	strace $0xD0000000  }
0x3: {  	_ = 	snop  }
0x4: {  	_ = 	snop  }
0x5: {  	_ = 	snop  }
0x6: {  	_ = 	snop  }
0x7: {  	_ = 	snop  }
__scs_overlays_trampoline_lowered:
0x8: {  	[smem:$0x3F98] =	sst s0  }
0x9: {  	[smem:$0x3F99] =	sst s1  }
0xa: {  	[smem:$0x3F9A] =	sst s2  }
0xb: {  	[smem:$0x3F9B] =	sst s3  }
0xc: {  	[smem:$0x3F9C] =	sst s4  }
0xd: {  	[smem:$0x3F9D] =	sst s5  }
0xe: {  	[smem:$0x3F9E] =	sst s6  }
0xf: {  	[smem:$0x3F9F] =	sst s7  }
0x10: {  	[smem:$0x3FA0] =	sst s8  }
0x11: {  	[smem:$0x3FA1] =	sst s9;
	s0 =	simm.s32 @!p0 $0x0  }
0x12: {  	s1 =	sld [smem:$0x3F87];
	s0 =	simm.s32 @p0 $0x1  }
0x13: {  	[smem:$0x3FA2] =	sst s0;
	s0 =	simm.s32 @!p1 $0x0  }
0x14: {  	s2 =	sld [smem:$0x3F86];
	s0 =	simm.s32 @p1 $0x1  }
0x15: {  	[smem:$0x3FA3] =	sst s0;
	s0 =	simm.s32 @!p2 $0x0  }
0x16: {  	s3 =	sld [smem:$0x3FDB];
	s0 =	simm.s32 @p2 $0x1  }
0x17: {  	s4 =	simm.s32 $0x1BF5;
	[smem:$0x3FA5] =	sst s0  }
0x18: {  	s0 =	sld [smem:$0x3F88];
	_ =	swait.ge [sflag:s4], $0x0  }
0x19: {  	s7 =	sld [smem:$0x3F89]  }
0x1a: {  	s8 =	sadd.s32 $0xFFFFE003, lr  }
0x1b: {  	s9 =	sadd.s32 $0xFFFFFEF7, lr;
	s5 =	simm.s32 $0xFFFFFFFF;
	p2 =	slt.u32 s8, $0xFFFFF086  }
0x1c: {  	p1 =	slt.u32 s9, $0xF7A;
	s5 =	simm.s32 @!p2 $0x0  }
0x1d: {  	s5 =	simm.s32 @p1 $0x1;
	p0 =	seq.s32 s7, s2  }
0x1e: {  	s7 =	smul.u32 @!p0 $0xF7A, s2;
	p2 =	seq.s32 @!p0 s5, $0x0  }
0x1f: {  	s9 =	smul.u32 $0xF7A, s1;
	s8 =	simm.s32 @!p0 $0x1BF5;
	p2 =	por !p2, p0  }
0x20: {  	[sflag:s8] =	ssyncset.s32 @!p0 $0xFFFFF086;
	s6 =	sadd.s32 @!p0 s3, s7;
	s7 =	simm.s32 @!p0 $0x108  }
0x21: {  	s3 =	sadd.s32 s3, s9;
	s6 =	sadd.s32 @!p0 $0x88, s6;
	s7 =	simm.s32 @p2 $0x1082  }
0x22: {  	[simem:s7], [sflag:s8] =	dma.local @!p0 [hbm:s6], $0xF7A  }
0x23: {  	s9 =	sor.u32 $0xD0000000, s2;
	s6 =	simm.s32 $0x108;
	_ =	swait.ge @!p0 [sflag:s8], $0x0  }
0x24: {  	s3 =	sadd.s32 $0x88, s3;
	s6 =	simm.s32 @!p1 $0x1082;
	[sflag:s4] =	ssyncset.s32 $0xFFFFF086  }
0x25: {  	[simem:s6], [sflag:s4] =	dma.local [hbm:s3], $0xF7A  }
0x26: {  	[smem:$0x3F89] =	sst s1;
	(tag) =	ssettag s2;
	_ =	strace s9  }
0x27: {  	s1 =	sld [smem:$0x3F99]  }
0x28: {  	s2 =	sld [smem:$0x3F9A]  }
0x29: {  	s4 =	sld [smem:$0x3F9C]  }
0x2a: {  	p0 =	seq.s32 s5, $0x0;
	s5 =	sld [smem:$0x3F9D]  }
0x2b: {  	s6 =	sld [smem:$0x3F9E]  }
0x2c: {  	s7 =	sld [smem:$0x3F9F]  }
0x2d: {  	s3 =	simm.s32 $0x108;
	s8 =	sld [smem:$0x3FA0]  }
0x2e: {  	s3 =	simm.s32 @!p0 $0x1082;
	s9 =	sld [smem:$0x3FA1]  }
0x2f: {  	lr =	sadd.s32 s0, s3;
	s0 =	sld [smem:$0x3F98]  }
0x30: {  	s3 =	sld [smem:$0x3F9B]  }
0x31: {  	[smem:$0x3FA4] =	sst s10  }
0x32: {  	s10 =	sld [smem:$0x3FA2];
	_ =	sdelay $0x3  }
0x33: {  	p0 =	seq.s32 s10, $0x1;
	s10 =	sld [smem:$0x3FA4];
	_ =	sdelay $0x3  }
0x34: {  	[smem:$0x3FA4] =	sst s10  }
0x35: {  	s10 =	sld [smem:$0x3FA3];
	_ =	sdelay $0x3  }
0x36: {  	p1 =	seq.s32 s10, $0x1;
	s10 =	sld [smem:$0x3FA4];
	_ =	sdelay $0x3  }
0x37: {  	[smem:$0x3FA4] =	sst s10  }
0x38: {  	s10 =	sld [smem:$0x3FA5]  }
0x39: {  	_ = 	snop;
	(pc) =	sbr.ind lr, $3  }
0x3a: {  	_ = 	snop  }
0x3b: {  	_ = 	snop  }
0x3c: {  	p2 =	seq.s32 s10, $0x1;
	s10 =	sld [smem:$0x3FA4]  }
0x3d: {  	_ =	shalt  }
0x3e: {  	_ =	shalt  }
0x3f: {  	_ =	shalt  }
0x40: {  	_ =	shalt  }
0x41: {  	_ =	shalt  }
0x42: {  	_ =	shalt  }
0x43: {  	_ =	shalt  }
0x44: {  	_ =	shalt  }
0x45: {  	_ =	shalt  }
0x46: {  	_ =	shalt  }
0x47: {  	_ =	shalt  }
0x48: {  	_ =	shalt  }
0x49: {  	_ =	shalt  }
0x4a: {  	_ =	shalt  }
0x4b: {  	_ =	shalt  }
0x4c: {  	_ =	shalt  }
0x4d: {  	_ =	shalt  }
0x4e: {  	_ =	shalt  }
0x4f: {  	_ =	shalt  }
0x50: {  	_ =	shalt  }
0x51: {  	_ =	shalt  }
0x52: {  	_ =	shalt  }
0x53: {  	_ =	shalt  }
0x54: {  	_ =	shalt  }
0x55: {  	_ =	shalt  }
0x56: {  	_ =	shalt  }
0x57: {  	_ =	shalt  }
0x58: {  	_ =	shalt  }
0x59: {  	_ =	shalt  }
0x5a: {  	_ =	shalt  }
0x5b: {  	_ =	shalt  }
0x5c: {  	_ =	shalt  }
0x5d: {  	_ =	shalt  }
0x5e: {  	_ =	shalt  }
0x5f: {  	_ =	shalt  }
0x60: {  	_ =	shalt  }
0x61: {  	_ =	shalt  }
0x62: {  	_ =	shalt  }
0x63: {  	_ =	shalt  }
0x64: {  	_ =	shalt  }
0x65: {  	_ =	shalt  }
0x66: {  	_ =	shalt  }
0x67: {  	_ =	shalt  }
0x68: {  	_ =	shalt  }
0x69: {  	_ =	shalt  }
0x6a: {  	_ =	shalt  }
0x6b: {  	_ =	shalt  }
0x6c: {  	_ =	shalt  }
0x6d: {  	_ =	shalt  }
0x6e: {  	_ =	shalt  }
0x6f: {  	_ =	shalt  }
0x70: {  	_ =	shalt  }
0x71: {  	_ =	shalt  }
0x72: {  	_ =	shalt  }
0x73: {  	_ =	shalt  }
0x74: {  	_ =	shalt  }
0x75: {  	_ =	shalt  }
0x76: {  	_ =	shalt  }
0x77: {  	_ =	shalt  }
0x78: {  	_ =	shalt  }
0x79: {  	_ =	shalt  }
0x7a: {  	_ =	shalt  }
0x7b: {  	_ =	shalt  }
0x7c: {  	_ =	shalt  }
0x7d: {  	_ =	shalt  }
0x7e: {  	_ =	shalt  }
0x7f: {  	_ =	shalt  }
0x80: {  	_ =	shalt  }
0x81: {  	_ =	shalt  }
0x82: {  	_ =	shalt  }
0x83: {  	_ =	shalt  }
0x84: {  	_ =	shalt  }
0x85: {  	_ =	shalt  }
0x86: {  	_ =	shalt  }
0x87: {  	_ =	shalt  }
.Lfunc_end0:
.L_simem_size_0:
called_computation_lowered:
.L_overlay_start_0:
0x88: {  	s2 =	sld [smem:$0x3FD9]  }
0x89: {  	s3 =	sld [smem:$0x3FFE];
	_ =	sdelay $0x1  }
0x8a: {  	s1 =	srdreg.scid  }
0x8b: {  	s0 =	sand.u32 $0x1, s1  }
0x8c: {  	s14 =	sshll.u32 s0, $0xA;
	s2 =	sadd.s32 s3, s2  }
0x8d: {  	s2 =	sadd.s32 s2, s14  }
0x8e: {  	[smem:$0x3FB0] =	sst s2  }
0x8f: {  	_ = 	snop  }
0x90: {  	s2 =	sld [smem:$0x3FD0];
	_ =	sdelay $0x2  }
0x91: {  	s4 =	simm.s32 $0xA;
	s5 =	simm.s32 $0x10;
	s15 =	sld [smem:$0x3FC7]  }
0x92: {  	[smem:s5], [sflag:s4] =	dma.local [hbm:s2], $0x1  }
0x93: {  	_ =	swait.eq [sflag:s4], $0x1  }
0x94: {  	[sflag:s4] =	ssyncset.done $0x0  }
0x95: {  	s16 =	sld [smem:$0x10];
	[sflag:s4] =	ssyncadd.s32 $0xFFFFFFFF  }
0x96: {  	s17 =	sld [smem:$0x11];
	(tm) =	ssettm $0x1  }
0x97: {  	s18 =	sld [smem:$0x3FFB];
	_ =	sdelay $0x3  }
0x98: {  	_ =	strace s18  }
0x99: {  	s5 =	sld [smem:$0x3FFC];
	_ =	sdelay $0x3  }
0x9a: {  	_ =	strace s5  }
0x9b: {  	s5 =	sld [smem:$0x3FFD];
	_ =	sdelay $0x3  }
0x9c: {  	_ =	strace s5  }
0x9d: {  	_ =	strace $0x8FFFFFFF  }
0x9e: {  	s19 =	sld [smem:$0x3FDB];
	_ =	sdelay $0x1  }
0x9f: {  	s6 =	simm.s32 $_scs_section_size  }
0xa0: {  	s7 =	simm.s32 $_size__tile_overlayer_lowered;
	s8 =	simm.s32 $_tile_overlayer_lowered  }
0xa1: {  	s22 =	simm.s32 $0x1BFF;
	s21 =	sshll.u32 s8, $0x1;
	s5 =	sadd.s32 s6, s19  }
0xa2: {  	s9 =	simm.s32 $0x0;
	s20 =	sshll.u32 s7, $0x1;
	s7 =	sadd.s32 s21, s5  }
0xa3: {  	[timem:s9], [sflag:s22] =	dma.local [hbm:s7], s20  }
0xa4: {  	_ =	swait.ge [sflag:s22], s20  }
0xa5: {  	s6 =	ssub.s32 $0x0, s20;
	[sflag:s22] =	ssyncset.done $0x0  }
0xa6: {  	[sflag:s22] =	ssyncadd.s32 s6;
	_ =	sdelay $0x1  }
0xa7: {  	s23 =	simm.s32 $0x1B8B  }
0xa8: {  	_ =	swait.ge [sflag:s23], $0x1  }
0xa9: {  	[sflag:s23] =	ssyncset.done $0x0  }
0xaa: {  	s25 =	simm.s32 $0x1B8E;
	s24 =	sld [smem:$0x3FFE];
	[sflag:s23] =	ssyncadd.s32 $0xFFFFFFFF  }
0xab: {  	s26 =	simm.s32 $execute0_lowered;
	[smem:$0x3FD2] =	sst s25  }
0xac: {  	s7 =	sshll.u32 s26, $0x1;
	_ =	strace $0x80000046;
	[dreg:$0x1] =	wrdreg $0xFFFFFFFF  }
0xad: {  	s28 =	simm.s32 $_size_execute0_lowered;
	s5 =	sadd.s32 s5, s7;
	[dreg:$0x0] =	wrdreg $0x0  }
0xae: {  	s7 =	sshll.u32 s28, $0x1;
	[dreg:$0x2] =	wrdreg s5  }
0xaf: {  	[dreg:$0x3] =	wrdreg s7  }
0xb0: {  	[dreg:$0x4] =	wrdreg $0xC0  }
0xb1: {  	_ =	task [dreg:s9], $0x5FFFF  }
0xb2: {  	[dreg:$0x1] =	wrdreg $0xFFFFFFFF  }
0xb3: {  	[dreg:$0x0] =	wrdreg $0x60  }
0xb4: {  	[dreg:$0x2] =	wrdreg s15  }
0xb5: {  	[dreg:$0x3] =	wrdreg s17  }
0xb6: {  	[dreg:$0x4] =	wrdreg s16  }
0xb7: {  	[dreg:$0x5] =	wrdreg s24  }
0xb8: {  	[dreg:$0x6] =	wrdreg $0xA8800  }
0xb9: {  	[dreg:$0x7] =	wrdreg $0x1E8800  }
0xba: {  	[dreg:$0x8] =	wrdreg $0x9  }
0xbb: {  	_ =	task.clear_ibuf [dreg:s9], $0x9FFFF;
	_ =	strace $0x90000046  }
0xbc: {  	s29 =	simm.s32 $0x9;
	_ =	strace $0x80000048  }
0xbd: {  	_ =	swait.ge [sflag:s29], $0x1  }
0xbe: {  	[sflag:s29] =	ssyncadd.s32 $0xFFFFFFFF  }
0xbf: {  	_ =	strace $0x90000048  }
0xc0: {  	_ =	sfence  }
0xc1: {  	s30 =	sld [smem:$0x0];
	_ =	sdelay $0x2  }
0xc2: {  	s31 =	sshll.u32 s1, $0xD;
	s1 =	sshrl.u32 s1, $0x2  }
0xc3: {  	s3 =	sand.u32 $0x4000, s31;
	s1 =	sadd.s32 s1, s30  }
0xc4: {  	s0 =	sor.u32 s3, s0;
	s1 =	sshll.u32 s1, $0x11  }
0xc5: {  	s0 =	sor.u32 s1, s0  }
0xc6: {  	s0 =	sadd.s32 $0x8F2B, s0  }
0xc7: {  	[sflag:s0] =	ssyncadd.remote.s32 $0x1  }
0xc8: {  	_ =	sfence.sel $0xFFFF  }
0xc9: {  	[dreg:$0x0] =	wrdreg $0xFFFFFFFF;
	(pc) =	sbr.abs _section_cstart, $3  }
0xca: {  	[dreg:$0x1] =	wrdreg $0xFFFFFFFF  }
0xcb: {  	_ =	task.clear_ibuf [dreg:s9], $0x2FFFF;
	_ =	strace $0x9FFFFFFF  }
0xcc: {  	(tm) =	ssettm $0x7FFFFFFF  }
0xcd: {  	_ =	shalt  }
tec
execute0_lowered:
.L_overlay_start_1:
0x0: {  	(tag) =	ssettag $0x1  }
0x1: {  	s0 =	rddreg [dreg:$0x0]  }
0x2: {  	s1 =	rddreg [dreg:$0x1]  }
0x3: {  	s2 =	rddreg [dreg:$0x2]  }
0x4: {  	s6 =	rddreg [dreg:$0x3];
	s4 =	srdreg.scid  }
0x5: {  	s3 =	rddreg [dreg:$0x4];
	s12 =	stileid.u32  }
0x6: {  	s5 =	simm.s32 $0x0;
	s28 =	simm.s32 $0x100;
	s29 =	simm.s32 $0x1480  }
0x7: {  	s30 =	simm.s32 $0x1380;
	s31 =	simm.s32 $0x2700;
	s9 =	smul.u32 $0x14000, s12  }
0x8: {  	s7 =	sand.u32 $0x1, s4;
	s4 =	rddreg [dreg:$0x5];
	s10 =	smul.u32 $0x500, s12  }
0x9: {  	[smem:$0x7FF] =	sst s5;
	s17 =	sadd.s32 $0x4600, s6;
	s21 =	smul.u32 $0x50000, s12  }
0xa: {  	s18 =	sadd.s32 $0x4400, s6;
	s20 =	sshll.u32 s12, $0x1;
	s23 =	smul.u32 $0xA00, s12  }
0xb: {  	s25 =	sshll.u32 s12, $0x6;
	_ =	strace $0x80000047;
	[dreg:$0x7] =	wrdreg s17  }
0xc: {  	s8 =	smul.u32 $0x140000, s7;
	s11 =	sshll.u32 s7, $0x7;
	[dreg:$0x8] =	wrdreg s18  }
0xd: {  	s19 =	ssub.s32 $0x2, s7;
	s7 =	sor.u32 s7, s20;
	s17 =	simm.s32 $0x4  }
0xe: {  	s20 =	simm.s32 $0x80;
	s16 =	sor.u32 s11, s10;
	s22 =	sshrl.u32 s19, $0x1  }
0xf: {  	s24 =	sshrl.u32 s21, $0x2;
	s7 =	smul.u32 $0x2800, s7;
	s21 =	simm.s32 $0x2800  }
0x10: {  	s8 =	sadd.s32 s9, s8;
	s9 =	sshrl.u32 s16, $0x3;
	s15 =	ssub.s32 s19, s22  }
0x11: {  	s16 =	sadd.s32 s24, s3;
	s19 =	simm.s32 $0x1400;
	s22 =	simm.s32 $0x6800  }
0x12: {  	s24 =	simm.s32 $0xA800;
	s8 =	sshrl.u32 s8, $0x3;
	s7 =	sshrl.u32 s7, $0x3  }
0x13: {  	s15 =	smax.u32 s15, $0x1;
	s16 =	sshrl.u32 s16, $0x3;
	s13 =	sadd.s32 s8, s6  }
0x14: {  	s6 =	sadd.s32 s9, s6;
	s9 =	sshrl.u32 s23, $0x2;
	s8 =	sor.u32 $0x1C04, s25  }
0x15: {  	s26 =	sadd.s32 s1, s7;
	s10 =	sadd.s32 s2, s7;
	s7 =	sadd.s32 $0x280, s7  }
0x16: {  	s23 =	simm.s32 $0x1;
	s25 =	simm.s32 $0x2;
	s18 =	sadd.s32 s9, s4  }
0x17: {  	[dreg:$0x9] =	wrdreg s26;
	s11 =	sadd.s32 s1, s7;
	s12 =	sadd.s32 s2, s7  }
0x18: {  	s13 =	sadd.s32 $0x7800, s13;
	s14 =	sadd.s32 $0x6E00, s6;
	s26 =	simm.s32 $0x3  }
0x19: {  	v0 =	vimm.f32 $1.000000000e+00;
	s2 =	simm.s32 $0x2780;
	s1 =	simm.s32 $0x0;
	s18 =	sshrl.u32 s18, $0x3  }
.LBB2_1:
0x1a: {  	s6 =	rddreg [dreg:$0x7]  }
0x1b: {  	[spmem:s16], [sflag:s8] =	dma.local [hbm:s6], $0x2800  }
0x1c: {  	_ =	swait.ge [sflag:s17], $0x2800  }
0x1d: {  	[sflag:s17] =	ssyncset.done $0x0  }
0x1e: {  	s9 =	rddreg [dreg:$0x8];
	[sflag:s17] =	ssyncadd.s32 $0xFFFFD800  }
0x1f: {  	[spmem:s18], [sflag:s8] =	dma.local [hbm:s9], $0x50  }
0x20: {  	_ =	swait.ge [sflag:s17], $0x50  }
0x21: {  	[sflag:s17] =	ssyncset.done $0x0  }
0x22: {  	[sflag:s17] =	ssyncadd.s32 $0xFFFFFFB0  }
0x23: {  	[tilespmem:$0xA800] =	vst v0  }
0x24: {  	[tilespmem:$0xA810] =	vst v0  }
0x25: {  	[tilespmem:$0xA820] =	vst v0  }
0x26: {  	[tilespmem:$0xA830] =	vst v0  }
0x27: {  	[tilespmem:$0xA840] =	vst v0  }
0x28: {  	[tilespmem:$0xA850] =	vst v0  }
0x29: {  	[tilespmem:$0xA860] =	vst v0  }
0x2a: {  	[tilespmem:$0xA870] =	vst v0  }
0x2b: {  	[bflag:$0x0] =	sbarrier.arrive $0xFFFF  }
0x2c: {  	s7 =	rddreg [dreg:$0x9]  }
0x2d: {  	[tilespmem:s5], [sflag:$0x4] =	stream.linear.gather [hbm4b:s7+s5], $0x1400, $0x38;
	[tilespmem:$0x1EB00] =	vst v63  }
0x2e: {  	_ =	swait.ge [sflag:s17], $0x1400  }
0x2f: {  	[sflag:s17] =	ssyncset.done $0x0  }
0x30: {  	[sflag:s17] =	ssyncadd.s32 $0xFFFFEC00  }
0x31: {  	[tilespmem:s19], [sflag:$0x4] =	stream.linear.gather [hbm4b:s10+s5], $0x1400, $0x38;
	[tilespmem:$0x1EB00] =	vst v63  }
0x32: {  	_ =	swait.ge [sflag:s17], $0x1400  }
0x33: {  	[sflag:s17] =	ssyncset.done $0x0  }
0x34: {  	[sflag:s17] =	ssyncadd.s32 $0xFFFFEC00  }
0x35: {  	[tilespmem:s21], [sflag:$0x1] =	stream.indirect.gather [hbm4b:s0+s20], $0x80, s5, s20, $0xb8;
	[tilespmem:$0x1EB00] =	vst v63  }
0x36: {  	_ = 	snop  }
0x37: {  	[tilespmem:s22], [sflag:$0x1] =	stream.indirect.gather [hbm4b:s0+s20], $0x80, s20, s20, $0xb8;
	[tilespmem:$0x1EB00] =	vst v63  }
0x38: {  	_ =	swait.ge [sflag:s23], $0x4000  }
0x39: {  	[sflag:s23] =	ssyncset.done $0x0  }
0x3a: {  	[sflag:s23] =	ssyncadd.s32 $0xFFFFC000  }
0x3b: {  	[spmem:s3] =	stream.indirect.scatter.add.f32 [tilespmem:s21], [sflag:$0x2], $0x80, s19, s20, $0xb8;
	[tilespmem:$0x1EB00] =	vst v63  }
0x3c: {  	_ = 	snop  }
0x3d: {  	[spmem:s4] =	stream.indirect.scatter.add.f32 [tilespmem:s24], [sflag:$0x3], $0x1, s19, s20, $0xb8;
	[tilespmem:$0x1EB00] =	vst v63  }
0x3e: {  	_ =	swait.ge [sflag:s25], $0x4000  }
0x3f: {  	[sflag:s25] =	ssyncset.done $0x0  }
0x40: {  	[sflag:s25] =	ssyncadd.s32 $0xFFFFC000  }
0x41: {  	_ =	swait.ge [sflag:s26], $0x80  }
0x42: {  	[sflag:s26] =	ssyncset.done $0x0  }
0x43: {  	[sflag:s26] =	ssyncadd.s32 $0xFFFFFF80  }
0x44: {  	[tilespmem:s21], [sflag:$0x1] =	stream.indirect.gather [hbm4b:s0+s20], $0x80, s28, s20, $0xb8;
	[tilespmem:$0x1EB00] =	vst v63  }
0x45: {  	_ =	swait.ge [sflag:s23], $0x4000  }
0x46: {  	[sflag:s23] =	ssyncset.done $0x0  }
0x47: {  	[sflag:s23] =	ssyncadd.s32 $0xFFFFC000  }
0x48: {  	[spmem:s3] =	stream.indirect.scatter.add.f32 [tilespmem:s22], [sflag:$0x2], $0x80, s29, s20, $0xb8;
	[tilespmem:$0x1EB00] =	vst v63  }
0x49: {  	_ = 	snop  }
0x4a: {  	[spmem:s4] =	stream.indirect.scatter.add.f32 [tilespmem:s24], [sflag:$0x3], $0x1, s29, s20, $0xb8;
	[tilespmem:$0x1EB00] =	vst v63  }
0x4b: {  	_ =	swait.ge [sflag:s25], $0x4000  }
0x4c: {  	[sflag:s25] =	ssyncset.done $0x0  }
0x4d: {  	[sflag:s25] =	ssyncadd.s32 $0xFFFFC000  }
0x4e: {  	_ =	swait.ge [sflag:s26], $0x80  }
0x4f: {  	[sflag:s26] =	ssyncset.done $0x0  }
0x50: {  	s9 =	simm.s32 $0x180;
	[sflag:s26] =	ssyncadd.s32 $0xFFFFFF80  }
0x51: {  	[tilespmem:s22], [sflag:$0x1] =	stream.indirect.gather [hbm4b:s0+s20], $0x80, s9, s20, $0xb8;
	[tilespmem:$0x1EB00] =	vst v63  }
0x52: {  	_ =	swait.ge [sflag:s23], $0x4000  }
0x53: {  	[sflag:s23] =	ssyncset.done $0x0  }
0x54: {  	s7 =	simm.s32 $0x1500;
	[sflag:s23] =	ssyncadd.s32 $0xFFFFC000  }
0x55: {  	[spmem:s3] =	stream.indirect.scatter.add.f32 [tilespmem:s21], [sflag:$0x2], $0x80, s7, s20, $0xb8;
	[tilespmem:$0x1EB00] =	vst v63  }
0x56: {  	_ = 	snop  }
0x57: {  	[spmem:s4] =	stream.indirect.scatter.add.f32 [tilespmem:s24], [sflag:$0x3], $0x1, s7, s20, $0xb8;
	[tilespmem:$0x1EB00] =	vst v63  }
0x58: {  	_ =	swait.ge [sflag:s25], $0x4000  }
0x59: {  	[sflag:s25] =	ssyncset.done $0x0  }
0x5a: {  	[sflag:s25] =	ssyncadd.s32 $0xFFFFC000  }
0x5b: {  	_ =	swait.ge [sflag:s26], $0x80  }
0x5c: {  	[sflag:s26] =	ssyncset.done $0x0  }
0x5d: {  	s9 =	simm.s32 $0x200;
	[sflag:s26] =	ssyncadd.s32 $0xFFFFFF80  }
0x5e: {  	[tilespmem:s21], [sflag:$0x1] =	stream.indirect.gather [hbm4b:s0+s20], $0x80, s9, s20, $0xb8;
	[tilespmem:$0x1EB00] =	vst v63  }
0x5f: {  	_ =	swait.ge [sflag:s23], $0x4000  }
0x60: {  	[sflag:s23] =	ssyncset.done $0x0  }
0x61: {  	s6 =	simm.s32 $0xFFFFBC00;
	s7 =	simm.s32 $0x1580;
	[sflag:s23] =	ssyncadd.s32 $0xFFFFC000  }
0x62: {  	[spmem:s3] =	stream.indirect.scatter.add.f32 [tilespmem:s22], [sflag:$0x2], $0x80, s7, s20, $0xb8;
	[tilespmem:$0x1EB00] =	vst v63  }
.LBB2_2:
0x63: {  	[spmem:s4] =	stream.indirect.scatter.add.f32 [tilespmem:s24], [sflag:$0x3], $0x1, s7, s20, $0xb8;
	[tilespmem:$0x1EB00] =	vst v63  }
0x64: {  	s7 =	smov.u32 s6  }
0x65: {  	p0 =	sne.s32 s6, $0xFFFFFC00;
	s6 =	sadd.s32 $0x400, s6;
	_ =	swait.ge [sflag:s25], $0x4000  }
0x66: {  	[sflag:s25] =	ssyncset.done $0x0  }
0x67: {  	[sflag:s25] =	ssyncadd.s32 $0xFFFFC000  }
0x68: {  	_ =	swait.ge [sflag:s26], $0x80  }
0x69: {  	s7 =	sshra.s32 s7, $0x2;
	[sflag:s26] =	ssyncset.done $0x0  }
0x6a: {  	s9 =	sadd.s32 $0x1380, s7;
	[sflag:s26] =	ssyncadd.s32 $0xFFFFFF80  }
0x6b: {  	[tilespmem:s22], [sflag:$0x1] =	stream.indirect.gather [hbm4b:s0+s20], $0x80, s9, s20, $0xb8;
	[tilespmem:$0x1EB00] =	vst v63  }
0x6c: {  	_ =	swait.ge [sflag:s23], $0x4000  }
0x6d: {  	[sflag:s23] =	ssyncset.done $0x0  }
0x6e: {  	s9 =	sadd.s32 $0x2700, s7;
	[sflag:s23] =	ssyncadd.s32 $0xFFFFC000  }
0x6f: {  	[spmem:s3] =	stream.indirect.scatter.add.f32 [tilespmem:s21], [sflag:$0x2], $0x80, s9, s20, $0xb8;
	[tilespmem:$0x1EB00] =	vst v63  }
0x70: {  	_ = 	snop  }
0x71: {  	[spmem:s4] =	stream.indirect.scatter.add.f32 [tilespmem:s24], [sflag:$0x3], $0x1, s9, s20, $0xb8;
	[tilespmem:$0x1EB00] =	vst v63  }
0x72: {  	_ =	swait.ge [sflag:s25], $0x4000  }
0x73: {  	[sflag:s25] =	ssyncset.done $0x0  }
0x74: {  	[sflag:s25] =	ssyncadd.s32 $0xFFFFC000  }
0x75: {  	_ =	swait.ge [sflag:s26], $0x80  }
0x76: {  	[sflag:s26] =	ssyncset.done $0x0  }
0x77: {  	s9 =	sadd.s32 $0x1400, s7;
	[sflag:s26] =	ssyncadd.s32 $0xFFFFFF80  }
0x78: {  	[tilespmem:s21], [sflag:$0x1] =	stream.indirect.gather [hbm4b:s0+s20], $0x80, s9, s20, $0xb8;
	[tilespmem:$0x1EB00] =	vst v63  }
.Ltmp0:
0x79: {  	_ = 	snop;
	(pc) =	sbr.rel @p0 .LBB2_2-.Ltmp0, $4  }
0x7a: {  	_ =	swait.ge [sflag:s23], $0x4000  }
0x7b: {  	[sflag:s23] =	ssyncset.done $0x0  }
0x7c: {  	s7 =	sadd.s32 $0x2780, s7;
	[sflag:s23] =	ssyncadd.s32 $0xFFFFC000  }
0x7d: {  	[spmem:s3] =	stream.indirect.scatter.add.f32 [tilespmem:s22], [sflag:$0x2], $0x80, s7, s20, $0xb8;
	[tilespmem:$0x1EB00] =	vst v63  }
0x7e: {  	[spmem:s4] =	stream.indirect.scatter.add.f32 [tilespmem:s24], [sflag:$0x3], $0x1, s7, s20, $0xb8;
	[tilespmem:$0x1EB00] =	vst v63  }
0x7f: {  	_ =	swait.ge [sflag:s25], $0x4000  }
0x80: {  	[sflag:s25] =	ssyncset.done $0x0  }
0x81: {  	[sflag:s25] =	ssyncadd.s32 $0xFFFFC000  }
0x82: {  	_ =	swait.ge [sflag:s26], $0x80  }
0x83: {  	[sflag:s26] =	ssyncset.done $0x0  }
0x84: {  	[sflag:s26] =	ssyncadd.s32 $0xFFFFFF80  }
0x85: {  	[tilespmem:s22], [sflag:$0x1] =	stream.indirect.gather [hbm4b:s0+s20], $0x80, s30, s20, $0xb8;
	[tilespmem:$0x1EB00] =	vst v63  }
0x86: {  	_ =	swait.ge [sflag:s23], $0x4000  }
0x87: {  	[sflag:s23] =	ssyncset.done $0x0  }
0x88: {  	[sflag:s23] =	ssyncadd.s32 $0xFFFFC000  }
0x89: {  	[spmem:s3] =	stream.indirect.scatter.add.f32 [tilespmem:s21], [sflag:$0x2], $0x80, s31, s20, $0xb8;
	[tilespmem:$0x1EB00] =	vst v63  }
0x8a: {  	_ = 	snop  }
0x8b: {  	[spmem:s4] =	stream.indirect.scatter.add.f32 [tilespmem:s24], [sflag:$0x3], $0x1, s31, s20, $0xb8;
	[tilespmem:$0x1EB00] =	vst v63  }
0x8c: {  	_ =	swait.ge [sflag:s25], $0x4000  }
0x8d: {  	[sflag:s25] =	ssyncset.done $0x0  }
0x8e: {  	[sflag:s25] =	ssyncadd.s32 $0xFFFFC000  }
0x8f: {  	_ =	swait.ge [sflag:s26], $0x80  }
0x90: {  	[sflag:s26] =	ssyncset.done $0x0  }
0x91: {  	[sflag:s26] =	ssyncadd.s32 $0xFFFFFF80  }
0x92: {  	_ =	swait.ge [sflag:s23], $0x4000  }
0x93: {  	[sflag:s23] =	ssyncset.done $0x0  }
0x94: {  	[sflag:s23] =	ssyncadd.s32 $0xFFFFC000  }
0x95: {  	[spmem:s3] =	stream.indirect.scatter.add.f32 [tilespmem:s22], [sflag:$0x2], $0x80, s2, s20, $0xb8;
	[tilespmem:$0x1EB00] =	vst v63  }
0x96: {  	_ = 	snop  }
0x97: {  	[spmem:s4] =	stream.indirect.scatter.add.f32 [tilespmem:s24], [sflag:$0x3], $0x1, s2, s20, $0xb8;
	[tilespmem:$0x1EB00] =	vst v63  }
0x98: {  	_ =	swait.ge [sflag:s25], $0x4000  }
0x99: {  	[sflag:s25] =	ssyncset.done $0x0  }
0x9a: {  	[sflag:s25] =	ssyncadd.s32 $0xFFFFC000  }
0x9b: {  	_ =	swait.ge [sflag:s26], $0x80  }
0x9c: {  	[sflag:s26] =	ssyncset.done $0x0  }
0x9d: {  	[sflag:s26] =	ssyncadd.s32 $0xFFFFFF80  }
0x9e: {  	[tilespmem:s5], [sflag:$0x4] =	stream.linear.gather [hbm4b:s11+s5], $0x1400, $0x38;
	[tilespmem:$0x1EB00] =	vst v63  }
0x9f: {  	_ =	swait.ge [sflag:s17], $0x1400  }
0xa0: {  	[sflag:s17] =	ssyncset.done $0x0  }
0xa1: {  	[sflag:s17] =	ssyncadd.s32 $0xFFFFEC00  }
0xa2: {  	[tilespmem:s19], [sflag:$0x4] =	stream.linear.gather [hbm4b:s12+s5], $0x1400, $0x38;
	[tilespmem:$0x1EB00] =	vst v63  }
0xa3: {  	_ =	swait.ge [sflag:s17], $0x1400  }
0xa4: {  	[sflag:s17] =	ssyncset.done $0x0  }
0xa5: {  	[sflag:s17] =	ssyncadd.s32 $0xFFFFEC00  }
0xa6: {  	[tilespmem:s21], [sflag:$0x1] =	stream.indirect.gather [hbm4b:s0+s20], $0x80, s5, s20, $0xb8;
	[tilespmem:$0x1EB00] =	vst v63  }
0xa7: {  	_ = 	snop  }
0xa8: {  	[tilespmem:s22], [sflag:$0x1] =	stream.indirect.gather [hbm4b:s0+s20], $0x80, s20, s20, $0xb8;
	[tilespmem:$0x1EB00] =	vst v63  }
0xa9: {  	_ =	swait.ge [sflag:s23], $0x4000  }
0xaa: {  	[sflag:s23] =	ssyncset.done $0x0  }
0xab: {  	[sflag:s23] =	ssyncadd.s32 $0xFFFFC000  }
0xac: {  	[spmem:s3] =	stream.indirect.scatter.add.f32 [tilespmem:s21], [sflag:$0x2], $0x80, s19, s20, $0xb8;
	[tilespmem:$0x1EB00] =	vst v63  }
0xad: {  	_ = 	snop  }
0xae: {  	[spmem:s4] =	stream.indirect.scatter.add.f32 [tilespmem:s24], [sflag:$0x3], $0x1, s19, s20, $0xb8;
	[tilespmem:$0x1EB00] =	vst v63  }
0xaf: {  	_ =	swait.ge [sflag:s25], $0x4000  }
0xb0: {  	[sflag:s25] =	ssyncset.done $0x0  }
0xb1: {  	[sflag:s25] =	ssyncadd.s32 $0xFFFFC000  }
0xb2: {  	_ =	swait.ge [sflag:s26], $0x80  }
0xb3: {  	[sflag:s26] =	ssyncset.done $0x0  }
0xb4: {  	[sflag:s26] =	ssyncadd.s32 $0xFFFFFF80  }
0xb5: {  	[tilespmem:s21], [sflag:$0x1] =	stream.indirect.gather [hbm4b:s0+s20], $0x80, s28, s20, $0xb8;
	[tilespmem:$0x1EB00] =	vst v63  }
0xb6: {  	_ =	swait.ge [sflag:s23], $0x4000  }
0xb7: {  	[sflag:s23] =	ssyncset.done $0x0  }
0xb8: {  	[sflag:s23] =	ssyncadd.s32 $0xFFFFC000  }
0xb9: {  	[spmem:s3] =	stream.indirect.scatter.add.f32 [tilespmem:s22], [sflag:$0x2], $0x80, s29, s20, $0xb8;
	[tilespmem:$0x1EB00] =	vst v63  }
0xba: {  	_ = 	snop  }
0xbb: {  	[spmem:s4] =	stream.indirect.scatter.add.f32 [tilespmem:s24], [sflag:$0x3], $0x1, s29, s20, $0xb8;
	[tilespmem:$0x1EB00] =	vst v63  }
0xbc: {  	_ =	swait.ge [sflag:s25], $0x4000  }
0xbd: {  	[sflag:s25] =	ssyncset.done $0x0  }
0xbe: {  	[sflag:s25] =	ssyncadd.s32 $0xFFFFC000  }
0xbf: {  	_ =	swait.ge [sflag:s26], $0x80  }
0xc0: {  	[sflag:s26] =	ssyncset.done $0x0  }
0xc1: {  	s6 =	simm.s32 $0x180;
	[sflag:s26] =	ssyncadd.s32 $0xFFFFFF80  }
0xc2: {  	[tilespmem:s22], [sflag:$0x1] =	stream.indirect.gather [hbm4b:s0+s20], $0x80, s6, s20, $0xb8;
	[tilespmem:$0x1EB00] =	vst v63  }
0xc3: {  	_ =	swait.ge [sflag:s23], $0x4000  }
0xc4: {  	[sflag:s23] =	ssyncset.done $0x0  }
0xc5: {  	s7 =	simm.s32 $0x1500;
	[sflag:s23] =	ssyncadd.s32 $0xFFFFC000  }
0xc6: {  	[spmem:s3] =	stream.indirect.scatter.add.f32 [tilespmem:s21], [sflag:$0x2], $0x80, s7, s20, $0xb8;
	[tilespmem:$0x1EB00] =	vst v63  }
0xc7: {  	_ = 	snop  }
0xc8: {  	[spmem:s4] =	stream.indirect.scatter.add.f32 [tilespmem:s24], [sflag:$0x3], $0x1, s7, s20, $0xb8;
	[tilespmem:$0x1EB00] =	vst v63  }
0xc9: {  	_ =	swait.ge [sflag:s25], $0x4000  }
0xca: {  	[sflag:s25] =	ssyncset.done $0x0  }
0xcb: {  	[sflag:s25] =	ssyncadd.s32 $0xFFFFC000  }
0xcc: {  	_ =	swait.ge [sflag:s26], $0x80  }
0xcd: {  	[sflag:s26] =	ssyncset.done $0x0  }
0xce: {  	s9 =	simm.s32 $0x200;
	[sflag:s26] =	ssyncadd.s32 $0xFFFFFF80  }
0xcf: {  	[tilespmem:s21], [sflag:$0x1] =	stream.indirect.gather [hbm4b:s0+s20], $0x80, s9, s20, $0xb8;
	[tilespmem:$0x1EB00] =	vst v63  }
0xd0: {  	_ =	swait.ge [sflag:s23], $0x4000  }
0xd1: {  	[sflag:s23] =	ssyncset.done $0x0  }
0xd2: {  	s6 =	simm.s32 $0xFFFFBC00;
	s7 =	simm.s32 $0x1580;
	[sflag:s23] =	ssyncadd.s32 $0xFFFFC000  }
0xd3: {  	[spmem:s3] =	stream.indirect.scatter.add.f32 [tilespmem:s22], [sflag:$0x2], $0x80, s7, s20, $0xb8;
	[tilespmem:$0x1EB00] =	vst v63  }
.LBB2_4:
0xd4: {  	[spmem:s4] =	stream.indirect.scatter.add.f32 [tilespmem:s24], [sflag:$0x3], $0x1, s7, s20, $0xb8;
	[tilespmem:$0x1EB00] =	vst v63  }
0xd5: {  	s7 =	smov.u32 s6  }
0xd6: {  	p0 =	sne.s32 s6, $0xFFFFFC00;
	s6 =	sadd.s32 $0x400, s6;
	_ =	swait.ge [sflag:s25], $0x4000  }
0xd7: {  	[sflag:s25] =	ssyncset.done $0x0  }
0xd8: {  	[sflag:s25] =	ssyncadd.s32 $0xFFFFC000  }
0xd9: {  	_ =	swait.ge [sflag:s26], $0x80  }
0xda: {  	s7 =	sshra.s32 s7, $0x2;
	[sflag:s26] =	ssyncset.done $0x0  }
0xdb: {  	s9 =	sadd.s32 $0x1380, s7;
	[sflag:s26] =	ssyncadd.s32 $0xFFFFFF80  }
0xdc: {  	[tilespmem:s22], [sflag:$0x1] =	stream.indirect.gather [hbm4b:s0+s20], $0x80, s9, s20, $0xb8;
	[tilespmem:$0x1EB00] =	vst v63  }
0xdd: {  	_ =	swait.ge [sflag:s23], $0x4000  }
0xde: {  	[sflag:s23] =	ssyncset.done $0x0  }
0xdf: {  	s9 =	sadd.s32 $0x2700, s7;
	[sflag:s23] =	ssyncadd.s32 $0xFFFFC000  }
0xe0: {  	[spmem:s3] =	stream.indirect.scatter.add.f32 [tilespmem:s21], [sflag:$0x2], $0x80, s9, s20, $0xb8;
	[tilespmem:$0x1EB00] =	vst v63  }
0xe1: {  	_ = 	snop  }
0xe2: {  	[spmem:s4] =	stream.indirect.scatter.add.f32 [tilespmem:s24], [sflag:$0x3], $0x1, s9, s20, $0xb8;
	[tilespmem:$0x1EB00] =	vst v63  }
0xe3: {  	_ =	swait.ge [sflag:s25], $0x4000  }
0xe4: {  	[sflag:s25] =	ssyncset.done $0x0  }
0xe5: {  	[sflag:s25] =	ssyncadd.s32 $0xFFFFC000  }
0xe6: {  	_ =	swait.ge [sflag:s26], $0x80  }
0xe7: {  	[sflag:s26] =	ssyncset.done $0x0  }
0xe8: {  	s9 =	sadd.s32 $0x1400, s7;
	[sflag:s26] =	ssyncadd.s32 $0xFFFFFF80  }
0xe9: {  	[tilespmem:s21], [sflag:$0x1] =	stream.indirect.gather [hbm4b:s0+s20], $0x80, s9, s20, $0xb8;
	[tilespmem:$0x1EB00] =	vst v63  }
.Ltmp1:
0xea: {  	_ = 	snop;
	(pc) =	sbr.rel @p0 .LBB2_4-.Ltmp1, $4  }
0xeb: {  	_ =	swait.ge [sflag:s23], $0x4000  }
0xec: {  	[sflag:s23] =	ssyncset.done $0x0  }
0xed: {  	s7 =	sadd.s32 $0x2780, s7;
	[sflag:s23] =	ssyncadd.s32 $0xFFFFC000  }
0xee: {  	[spmem:s3] =	stream.indirect.scatter.add.f32 [tilespmem:s22], [sflag:$0x2], $0x80, s7, s20, $0xb8;
	[tilespmem:$0x1EB00] =	vst v63  }
0xef: {  	[spmem:s4] =	stream.indirect.scatter.add.f32 [tilespmem:s24], [sflag:$0x3], $0x1, s7, s20, $0xb8;
	[tilespmem:$0x1EB00] =	vst v63  }
0xf0: {  	_ =	swait.ge [sflag:s25], $0x4000  }
0xf1: {  	[sflag:s25] =	ssyncset.done $0x0  }
0xf2: {  	[sflag:s25] =	ssyncadd.s32 $0xFFFFC000  }
0xf3: {  	_ =	swait.ge [sflag:s26], $0x80  }
0xf4: {  	[sflag:s26] =	ssyncset.done $0x0  }
0xf5: {  	[sflag:s26] =	ssyncadd.s32 $0xFFFFFF80  }
0xf6: {  	[tilespmem:s22], [sflag:$0x1] =	stream.indirect.gather [hbm4b:s0+s20], $0x80, s30, s20, $0xb8;
	[tilespmem:$0x1EB00] =	vst v63  }
0xf7: {  	_ =	swait.ge [sflag:s23], $0x4000  }
0xf8: {  	[sflag:s23] =	ssyncset.done $0x0  }
0xf9: {  	[sflag:s23] =	ssyncadd.s32 $0xFFFFC000  }
0xfa: {  	[spmem:s3] =	stream.indirect.scatter.add.f32 [tilespmem:s21], [sflag:$0x2], $0x80, s31, s20, $0xb8;
	[tilespmem:$0x1EB00] =	vst v63  }
0xfb: {  	_ = 	snop  }
0xfc: {  	[spmem:s4] =	stream.indirect.scatter.add.f32 [tilespmem:s24], [sflag:$0x3], $0x1, s31, s20, $0xb8;
	[tilespmem:$0x1EB00] =	vst v63  }
0xfd: {  	_ =	swait.ge [sflag:s25], $0x4000  }
0xfe: {  	[sflag:s25] =	ssyncset.done $0x0  }
0xff: {  	[sflag:s25] =	ssyncadd.s32 $0xFFFFC000  }
0x100: {  	_ =	swait.ge [sflag:s26], $0x80  }
0x101: {  	[sflag:s26] =	ssyncset.done $0x0  }
0x102: {  	[sflag:s26] =	ssyncadd.s32 $0xFFFFFF80  }
0x103: {  	_ =	swait.ge [sflag:s23], $0x4000  }
0x104: {  	[sflag:s23] =	ssyncset.done $0x0  }
0x105: {  	[sflag:s23] =	ssyncadd.s32 $0xFFFFC000  }
0x106: {  	[spmem:s3] =	stream.indirect.scatter.add.f32 [tilespmem:s22], [sflag:$0x2], $0x80, s2, s20, $0xb8;
	[tilespmem:$0x1EB00] =	vst v63  }
0x107: {  	_ = 	snop  }
0x108: {  	[spmem:s4] =	stream.indirect.scatter.add.f32 [tilespmem:s24], [sflag:$0x3], $0x1, s2, s20, $0xb8;
	[tilespmem:$0x1EB00] =	vst v63  }
0x109: {  	_ =	swait.ge [sflag:s25], $0x4000  }
0x10a: {  	[sflag:s25] =	ssyncset.done $0x0  }
0x10b: {  	[sflag:s25] =	ssyncadd.s32 $0xFFFFC000  }
0x10c: {  	_ =	swait.ge [sflag:s26], $0x80  }
0x10d: {  	[sflag:s26] =	ssyncset.done $0x0  }
0x10e: {  	[sflag:s26] =	ssyncadd.s32 $0xFFFFFF80  }
0x10f: {  	[bflag:$0x0] =	sbarrier.arrive $0xFFFF  }
0x110: {  	[hbm:s13], [sflag:s8] =	dma.local [spmem:s16], $0x2800  }
0x111: {  	s1 =	sadd.s32 $0x1, s1;
	_ =	swait.ge [sflag:s17], $0x2800  }
0x112: {  	s6 =	simm.s32 $0x20;
	p0 =	sne.s32 s1, s15;
	[sflag:s17] =	ssyncset.done $0x0  }
.Ltmp2:
0x113: {  	s9 =	simm.s32 $0x10;
	[sflag:s17] =	ssyncadd.s32 $0xFFFFD800;
	(pc) =	sbr.rel @p0 .LBB2_1-.Ltmp2, $4  }
0x114: {  	[hbm:s14@s6], [sflag:s8] =	dma.strided [spmem:s18@s9], $0x50, s23, $0x10   }
0x115: {  	_ =	swait.ge [sflag:s17], $0x50  }
0x116: {  	[sflag:s17] =	ssyncset.done $0x0  }
0x117: {  	[sflag:s17] =	ssyncadd.s32 $0xFFFFFFB0  }
0x118: {  	_ =	sfence.sel $0x180000  }
0x119: {  	[bflag:$0x0] =	sbarrier.arrive $0xFFFF  }
0x11a: {  	_ =	strace $0x90000047  }
0x11b: {  	s0 =	stileid.u32;
	[bflag:$0x2] =	sbarrier.arrive $0xFFFF  }
0x11c: {  	p0 =	sne.s32 s0, $0x0;
	s0 =	rddreg [dreg:$0x6]  }
0x11d: {  	s0 =	sadd.s32 @!p0 $0x100000, s0  }
0x11e: {  	[sflag:s0] =	ssyncadd.tile.s32 @!p0 $0x1;
	_ =	shalt  }
.Lfunc_end2:
_tile_overlayer_lowered:
.L_overlay_start_2:
0x11f: {  	(tag) =	ssettag $0x2  }
0x120: {  	s0 =	rddreg [dreg:$0x0];
	s2 =	stileid.u32  }
0x121: {  	s1 =	rddreg [dreg:$0x1];
	p0 =	sne.s32 s2, $0x0  }
0x122: {  	s3 =	rddreg [dreg:$0x2];
	[bflag:$0x3] =	sbarrier.arrive $0xFFFF;
	s2 =	simm.s32 @!p0 $0x1C04  }
0x123: {  	[timem:s3], [sflag:s2] =	dma.local @!p0 [hbm:s0], s1  }
0x124: {  	s0 =	simm.s32 @!p0 $0x4  }
0x125: {  	_ =	swait.ge @!p0 [sflag:s0], s1  }
0x126: {  	s1 =	ssub.s32 @!p0 $0x0, s1;
	[sflag:s0] =	ssyncset.done @!p0 $0x0  }
0x127: {  	[sflag:s0] =	ssyncadd.s32 @!p0 s1  }
0x128: {  	[bflag:$0x3] =	sbarrier.arrive $0xFFFF  }
0x129: {  	_ =	shalt  }

</sc_bundles>
